<compile_context>
chip_gen: v7x
topology: tpu7x:2x2x1
jax: 0.10.2.dev20260603
libtpu: 0.0.44.dev20260713+nightly
codegen_flags: <defaults>
</compile_context>

<pallas_src>
import functools

import jax
import jax.numpy as jnp
from jax import lax
from jax.experimental import pallas as pl
from jax.experimental.pallas import tpu as pltpu
from jax.experimental.pallas import tpu_sc as plsc

G = 33
K = 8
R = 8
B = 16
H = 512
W = 512

NC = 2
NS = 16
NW = NC * NS

GCOL = G * G * 3
GPAD = 26 * 128
LUT_WORDS = G * GPAD

CR = 8
SEGS = W // 16
CHUNKS = (H // 2) // CR


def _conv2d(x, w, b, stride):
    y = lax.conv_general_dilated(x, w, (stride, stride), ((1, 1), (1, 1)),
                                 dimension_numbers=('NCHW', 'OIHW', 'NCHW'))
    return y + b[None, :, None, None]


def _encoder(x, w1, b1, w2, b2):
    h = jax.nn.relu(_conv2d(x, w1, b1, 2))
    h = jax.nn.relu(_conv2d(h, w2, b2, 2))
    return h.mean(axis=(2, 3))



def _lut_build_body(alpha_ref, u_ref, vw_ref, bases_ref, delta_ref, l_ref,
                    lp_ref, psum_ref):
    u = u_ref[0]
    vw = vw_ref[0]
    delta = lax.dot_general(u, vw, (((0,), (0,)), ((), ())),
                            preferred_element_type=jnp.float32)
    acc = alpha_ref[0, 0, 0] * bases_ref[0]
    for k in range(1, K):
        acc = acc + alpha_ref[0, 0, k] * bases_ref[k]
    lut = acc + delta
    delta_ref[0] = delta
    l_ref[0] = lut
    lp_ref[0, :, :GCOL] = lut
    psum_ref[0, 0, 0] = jnp.sum(jnp.abs(delta))


_lut_build = pl.pallas_call(
    _lut_build_body,
    grid=(B,),
    in_specs=[
        pl.BlockSpec((1, 1, K), lambda b: (b, 0, 0), memory_space=pltpu.SMEM),
        pl.BlockSpec((1, R, G), lambda b: (b, 0, 0)),
        pl.BlockSpec((1, R, GCOL), lambda b: (b, 0, 0)),
        pl.BlockSpec((K, G, GCOL), lambda b: (0, 0, 0)),
    ],
    out_specs=[
        pl.BlockSpec((1, G, GCOL), lambda b: (b, 0, 0)),
        pl.BlockSpec((1, G, GCOL), lambda b: (b, 0, 0)),
        pl.BlockSpec((1, G, GPAD), lambda b: (b, 0, 0)),
        pl.BlockSpec((1, 1, 1), lambda b: (b, 0, 0), memory_space=pltpu.SMEM),
    ],
    out_shape=[
        jax.ShapeDtypeStruct((B, G, GCOL), jnp.float32),
        jax.ShapeDtypeStruct((B, G, GCOL), jnp.float32),
        jax.ShapeDtypeStruct((B, G, GPAD), jnp.float32),
        jax.ShapeDtypeStruct((B, 1, 1), jnp.float32),
    ],
)



def _lerp(a, b, t):
    return a + t * (b - a)


def _tri_body(lut_hbm, img_hbm, out_hbm, lut_v, buf):
    wid = lax.axis_index("s") * NC + lax.axis_index("c")
    img = wid // 2
    half = wid % 2
    pltpu.sync_copy(lut_hbm.at[img], lut_v)

    def chunk_body(ic, _):
        row0 = half * (H // 2) + ic * CR
        pltpu.sync_copy(img_hbm.at[img, :, pl.ds(row0, CR), :], buf)

        def px_body(j, _):
            row = j >> 5
            seg = pl.multiple_of((j & (SEGS - 1)) << 4, 16)
            r = buf[0, row, pl.ds(seg, 16)]
            g = buf[1, row, pl.ds(seg, 16)]
            bl = buf[2, row, pl.ds(seg, 16)]
            hi = jnp.float32(G - 1 - 1e-6)
            x = jnp.clip(r * jnp.float32(G - 1), 0.0, hi)
            y = jnp.clip(g * jnp.float32(G - 1), 0.0, hi)
            z = jnp.clip(bl * jnp.float32(G - 1), 0.0, hi)
            x0 = x.astype(jnp.int32)
            y0 = y.astype(jnp.int32)
            z0 = z.astype(jnp.int32)
            xd = x - x0.astype(jnp.float32)
            yd = y - y0.astype(jnp.float32)
            zd = z - z0.astype(jnp.float32)
            xa = x0 * GPAD
            ya = y0 * (3 * G)
            za = z0 * 3
            xb = jnp.minimum(xa + GPAD, (G - 1) * GPAD)
            yb = jnp.minimum(ya + 3 * G, (G - 1) * 3 * G)
            zb = jnp.minimum(za + 3, (G - 1) * 3)
            p00 = xa + ya
            p01 = xa + yb
            p10 = xb + ya
            p11 = xb + yb
            i000 = p00 + za
            i100 = p10 + za
            i010 = p01 + za
            i110 = p11 + za
            i001 = p00 + zb
            i101 = p10 + zb
            i011 = p01 + zb
            i111 = p11 + zb

            outs = []
            for ch in range(3):
                def gat(idx):
                    return plsc.load_gather(lut_v, [idx + ch] if ch else [idx])
                c000 = gat(i000)
                c100 = gat(i100)
                c010 = gat(i010)
                c110 = gat(i110)
                c001 = gat(i001)
                c101 = gat(i101)
                c011 = gat(i011)
                c111 = gat(i111)
                c00 = _lerp(c000, c100, xd)
                c10 = _lerp(c010, c110, xd)
                c01 = _lerp(c001, c101, xd)
                c11 = _lerp(c011, c111, xd)
                c0 = _lerp(c00, c10, yd)
                c1 = _lerp(c01, c11, yd)
                outs.append(_lerp(c0, c1, zd))

            buf[0, row, pl.ds(seg, 16)] = outs[0]
            buf[1, row, pl.ds(seg, 16)] = outs[1]
            buf[2, row, pl.ds(seg, 16)] = outs[2]
            return 0

        lax.fori_loop(0, CR * SEGS, px_body, 0)
        pltpu.sync_copy(buf, out_hbm.at[img, :, pl.ds(row0, CR), :])
        return 0

    lax.fori_loop(0, CHUNKS, chunk_body, 0)


_tri_kernel = functools.partial(
    pl.kernel,
    mesh=plsc.VectorSubcoreMesh(core_axis_name="c", subcore_axis_name="s"),
    compiler_params=pltpu.CompilerParams(needs_layout_passes=False),
    out_type=jax.ShapeDtypeStruct((B, 3, H, W), jnp.float32),
    scratch_types=[
        pltpu.VMEM((LUT_WORDS,), jnp.float32),
        pltpu.VMEM((3, CR, W), jnp.float32),
    ],
)(_tri_body)


def kernel(img_lr, img_full, bases, wc1_w, wc1_b, wc2_w, wc2_b, wfc_w, wfc_b,
           rc1_w, rc1_b, rc2_w, rc2_b, fu_w, fu_b, fv_w, fv_b, fw_w, fw_b,
           fc_w, fc_b):
    h_w = _encoder(img_lr, wc1_w, wc1_b, wc2_w, wc2_b)
    alpha = h_w @ wfc_w.T + wfc_b
    h_r = _encoder(img_lr, rc1_w, rc1_b, rc2_w, rc2_b)
    u = (h_r @ fu_w.T + fu_b).reshape(B, R, G)
    v = (h_r @ fv_w.T + fv_b).reshape(B, R, G)
    w = (h_r @ fw_w.T + fw_b).reshape(B, R, G)
    c = (h_r @ fc_w.T + fc_b).reshape(B, R, 3)

    vw = (v[:, :, :, None, None] * w[:, :, None, :, None]
          * c[:, :, None, None, :]).reshape(B, R, GCOL)

    delta_e, l_e, l_p, psums = _lut_build(alpha.reshape(B, 1, K), u, vw,
                                          bases.reshape(K, G, GCOL))
    one = lax.optimization_barrier(jnp.float32(1.0))
    delta = delta_e.reshape(B, G, G, G, 3) * one
    L = l_e.reshape(B, G, G, G, 3) * one
    mean_abs = psums.sum() / jnp.float32(B * G * G * G * 3)

    out = _tri_kernel(l_p.reshape(B, LUT_WORDS), img_full)
    return (out, alpha, delta, L, mean_abs)

# --- scband reference (transcript-rebuilt; emitter-appended) ---
"""Pipeline reference for scband-lo-ria3-dlut-2448131359066 (READ-ONLY COPY).

The authoritative reference and input builder live on the scoring server;
editing this copy changes nothing except your own understanding.
"""

import jax, jax.numpy as jnp
import numpy as np

G = 33
K = 8
R = 8


def conv2d(x, w, b, stride):
    y = jax.lax.conv_general_dilated(x, w, (stride, stride), ((1, 1), (1, 1)), dimension_numbers=('NCHW', 'OIHW', 'NCHW'))
    return y + b[None, :, None, None]


def encoder(x, w1, b1, w2, b2):
    h = jax.nn.relu(conv2d(x, w1, b1, 2))
    h = jax.nn.relu(conv2d(h, w2, b2, 2))
    return h.mean(axis=(2, 3))


def linear(h, w, b):
    return h @ w.T + b


def cp_residual_to_lut(u, v, w, c):
    core = u[:, :, :, None, None] * v[:, :, None, :, None] * w[:, :, None, None, :]
    delta = (core[..., None] * c[:, :, None, None, None, :]).sum(axis=1)
    return delta


def trilinear_lut(img, lut):
    B, _, H, W = img.shape
    xyz = jnp.transpose(img, (0, 2, 3, 1))
    xyz = jnp.clip(xyz * (G - 1), 0.0, G - 1 - 1e-6)
    x0 = jnp.floor(xyz[..., 0]).astype(jnp.int32)
    y0 = jnp.floor(xyz[..., 1]).astype(jnp.int32)
    z0 = jnp.floor(xyz[..., 2]).astype(jnp.int32)
    x1 = jnp.minimum(x0 + 1, G - 1)
    y1 = jnp.minimum(y0 + 1, G - 1)
    z1 = jnp.minimum(z0 + 1, G - 1)
    xd = (xyz[..., 0] - x0.astype(jnp.float32))[..., None]
    yd = (xyz[..., 1] - y0.astype(jnp.float32))[..., None]
    zd = (xyz[..., 2] - z0.astype(jnp.float32))[..., None]
    lut_flat = lut.reshape(B, G * G * G, 3)

    def gather(ix, iy, iz):
        idx = (ix * G + iy) * G + iz
        idx = idx.reshape(B, -1, 1)
        out = jnp.take_along_axis(lut_flat, jnp.broadcast_to(idx, (B, idx.shape[1], 3)), axis=1)
        return out.reshape(B, H, W, 3)

    c000 = gather(x0, y0, z0)
    c100 = gather(x1, y0, z0)
    c010 = gather(x0, y1, z0)
    c110 = gather(x1, y1, z0)
    c001 = gather(x0, y0, z1)
    c101 = gather(x1, y0, z1)
    c011 = gather(x0, y1, z1)
    c111 = gather(x1, y1, z1)
    c00 = c000 * (1 - xd) + c100 * xd
    c01 = c001 * (1 - xd) + c101 * xd
    c10 = c010 * (1 - xd) + c110 * xd
    c11 = c011 * (1 - xd) + c111 * xd
    c0 = c00 * (1 - yd) + c10 * yd
    c1 = c01 * (1 - yd) + c11 * yd
    out = c0 * (1 - zd) + c1 * zd
    return jnp.transpose(out, (0, 3, 1, 2))


def setup_inputs(seed: int = 0):
    key = jax.random.key(seed)
    ks = jax.random.split(key, 24)
    B = 16
    img_lr = jax.random.uniform(ks[0], (B, 3, 256, 256), dtype=jnp.float32)
    img_full = jax.random.uniform(ks[1], (B, 3, 512, 512), dtype=jnp.float32)
    rg = jnp.linspace(0.0, 1.0, G)
    Rm, Gm, Bm = jnp.meshgrid(rg, rg, rg, indexing='ij')
    ident = jnp.stack([Rm, Gm, Bm], axis=-1)
    bases = jnp.clip(ident[None] + 0.01 * jax.random.normal(ks[2], (K, G, G, G, 3), dtype=jnp.float32), 0.0, 1.0)
    s = 0.05
    return {
        'img_lr': img_lr,
        'img_full': img_full,
        'bases': bases,
        'wc1_w': s * jax.random.normal(ks[3], (16, 3, 3, 3), dtype=jnp.float32),
        'wc1_b': jnp.zeros((16,), jnp.float32),
        'wc2_w': s * jax.random.normal(ks[4], (32, 16, 3, 3), dtype=jnp.float32),
        'wc2_b': jnp.zeros((32,), jnp.float32),
        'wfc_w': s * jax.random.normal(ks[5], (K, 32), dtype=jnp.float32),
        'wfc_b': jnp.ones((K,), jnp.float32),
        'rc1_w': s * jax.random.normal(ks[6], (16, 3, 3, 3), dtype=jnp.float32),
        'rc1_b': jnp.zeros((16,), jnp.float32),
        'rc2_w': s * jax.random.normal(ks[7], (32, 16, 3, 3), dtype=jnp.float32),
        'rc2_b': jnp.zeros((32,), jnp.float32),
        'fu_w': s * jax.random.normal(ks[8], (R * G, 32), dtype=jnp.float32),
        'fu_b': jnp.zeros((R * G,), jnp.float32),
        'fv_w': s * jax.random.normal(ks[9], (R * G, 32), dtype=jnp.float32),
        'fv_b': jnp.zeros((R * G,), jnp.float32),
        'fw_w': s * jax.random.normal(ks[10], (R * G, 32), dtype=jnp.float32),
        'fw_b': jnp.zeros((R * G,), jnp.float32),
        'fc_w': 0.1 * jax.random.normal(ks[11], (R * 3, 32), dtype=jnp.float32),
        'fc_b': jnp.zeros((R * 3,), jnp.float32),
    }


def reference(img_lr, img_full, bases, wc1_w, wc1_b, wc2_w, wc2_b, wfc_w, wfc_b, rc1_w, rc1_b, rc2_w, rc2_b, fu_w, fu_b, fv_w, fv_b, fw_w, fw_b, fc_w, fc_b):
    B = img_lr.shape[0]
    h_w = encoder(img_lr, wc1_w, wc1_b, wc2_w, wc2_b)
    alpha = linear(h_w, wfc_w, wfc_b)
    h_r = encoder(img_lr, rc1_w, rc1_b, rc2_w, rc2_b)
    u = linear(h_r, fu_w, fu_b).reshape(B, R, G)
    v = linear(h_r, fv_w, fv_b).reshape(B, R, G)
    w = linear(h_r, fw_w, fw_b).reshape(B, R, G)
    c = linear(h_r, fc_w, fc_b).reshape(B, R, 3)
    delta = cp_residual_to_lut(u, v, w, c)
    alpha_ = alpha.reshape(B, K, 1, 1, 1, 1)
    L = (alpha_ * bases[None]).sum(axis=1) + delta
    out = trilinear_lut(img_full, L)
    return (out, alpha, delta, L, jnp.abs(delta).mean())

if __name__ == "__main__":
    import jax
    _d = setup_inputs()
    print(jax.jit(kernel)(*tuple(_d.values())))

</pallas_src>

<mosaic_0001>
#map = affine_map<(d0, d1) -> (0, 0)>
#map1 = affine_map<(d0, d1) -> (0, 0, 0, 0)>
module attributes {stable_mosaic.version = 14 : i64} {
  func.func @_tri_body(%arg0: i32, %arg1: i32, %arg2: memref<16x109824xf32, #tpu.memory_space<hbm>>, %arg3: memref<16x3x512x512xf32, #tpu.memory_space<hbm>>, %arg4: memref<16x3x512x512xf32, #tpu.memory_space<hbm>>, %arg5: memref<109824xf32, #tpu.memory_space<vmem>>, %arg6: memref<3x8x512xf32, #tpu.memory_space<vmem>>) attributes {dimension_semantics = [#tpu.dimension_semantics<core_parallel>, #tpu.dimension_semantics<subcore_parallel>], iteration_bounds = array<i64: 2, 16>, scalar_prefetch = 0 : i64, scratch_operands = 2 : i64, tpu.core_type = #tpu.core_type<sc_vector_subcore>, window_params = [{transform_indices = #map}, {transform_indices = #map1}, {transform_indices = #map1}]} {
    %mul3A = arith.constant 2 : i32
    %mul3A_0 = arith.muli %arg1, %mul3A : i32
    %add3A = arith.addi %mul3A_0, %arg0 : i32
    %jit3A = arith.constant 2 : i32
    %div3A = arith.divsi %add3A, %jit3A : i32
    %sign3A = arith.constant 0 : i32
    %sign3A_1 = arith.cmpi sgt, %add3A, %sign3A : i32
    %sign3A_2 = arith.extui %sign3A_1 : i1 to i32
    %sign3A_3 = arith.constant 0 : i32
    %sign3A_4 = arith.cmpi slt, %add3A, %sign3A_3 : i32
    %sign3A_5 = arith.extui %sign3A_4 : i1 to i32
    %sign3A_6 = arith.subi %sign3A_2, %sign3A_5 : i32
    %sign3A_7 = arith.constant 0 : i32
    %sign3A_8 = arith.cmpi sgt, %jit3A, %sign3A_7 : i32
    %sign3A_9 = arith.extui %sign3A_8 : i1 to i32
    %sign3A_10 = arith.constant 0 : i32
    %sign3A_11 = arith.cmpi slt, %jit3A, %sign3A_10 : i32
    %sign3A_12 = arith.extui %sign3A_11 : i1 to i32
    %sign3A_13 = arith.subi %sign3A_9, %sign3A_12 : i32
    %ne3A = arith.cmpi ne, %sign3A_6, %sign3A_13 : i32
    %rem3A = arith.remsi %add3A, %jit3A : i32
    %ne3A_14 = arith.constant 0 : i32
    %ne3A_15 = arith.cmpi ne, %rem3A, %ne3A_14 : i32
    %and3A = arith.andi %ne3A, %ne3A_15 : i1
    %sub3A = arith.constant 1 : i32
    %sub3A_16 = arith.subi %div3A, %sub3A : i32
    %select_n3A = arith.select %and3A, %sub3A_16, %div3A : i32
    %jit3A_17 = arith.constant 2 : i32
    %eq3A = arith.constant 0 : i32
    %eq3A_18 = arith.cmpi eq, %jit3A_17, %eq3A : i32
    %jit3A_19 = arith.constant 1 : i32
    %select_n3A_20 = arith.select %eq3A_18, %jit3A_19, %jit3A_17 : i32
    %rem3A_21 = arith.remsi %add3A, %select_n3A_20 : i32
    %ne3A_22 = arith.constant 0 : i32
    %ne3A_23 = arith.cmpi ne, %rem3A_21, %ne3A_22 : i32
    %lt3A = arith.constant 0 : i32
    %lt3A_24 = arith.cmpi slt, %rem3A_21, %lt3A : i32
    %lt3A_25 = arith.constant 0 : i32
    %lt3A_26 = arith.cmpi slt, %select_n3A_20, %lt3A_25 : i32
    %ne3A_27 = arith.xori %lt3A_24, %lt3A_26 : i1
    %and3A_28 = arith.andi %ne3A_27, %ne3A_23 : i1
    %add3A_29 = arith.addi %rem3A_21, %select_n3A_20 : i32
    %select_n3A_30 = arith.select %and3A_28, %add3A_29, %rem3A_21 : i32
    "tpu.region"() ({
      %run_scoped3A = tpu.sem_alloc : memref<!tpu.dma_semaphore, #tpu.memory_space<semaphore_mem>>
      %dma_start3A = arith.constant 0 : i32
      %dma_start3A_37 = tpu.memref_slice %arg2[%select_n3A, %dma_start3A] : memref<16x109824xf32, #tpu.memory_space<hbm>> -> memref<1x109824xf32, #tpu.memory_space<hbm>>
      %dma_start3A_38 = tpu.memref_squeeze %dma_start3A_37 : memref<1x109824xf32, #tpu.memory_space<hbm>> -> memref<109824xf32, #tpu.memory_space<hbm>>
      %dma_start3A_39 = arith.constant 0 : i32
      %dma_start3A_40 = tpu.memref_slice %arg2[%select_n3A, %dma_start3A_39] : memref<16x109824xf32, #tpu.memory_space<hbm>> -> memref<1x109824xf32, #tpu.memory_space<hbm>>
      %dma_start3A_41 = tpu.memref_squeeze %dma_start3A_40 : memref<1x109824xf32, #tpu.memory_space<hbm>> -> memref<109824xf32, #tpu.memory_space<hbm>>
      tpu.enqueue_dma source(%dma_start3A_41 : memref<109824xf32, #tpu.memory_space<hbm>>) target(%arg5 : memref<109824xf32, #tpu.memory_space<vmem>>) target_semaphore(%run_scoped3A : memref<!tpu.dma_semaphore, #tpu.memory_space<semaphore_mem>>)
      %dma_wait3A = arith.constant 0 : i32
      %dma_wait3A_42 = tpu.memref_slice %arg2[%select_n3A, %dma_wait3A] : memref<16x109824xf32, #tpu.memory_space<hbm>> -> memref<1x109824xf32, #tpu.memory_space<hbm>>
      %dma_wait3A_43 = tpu.memref_squeeze %dma_wait3A_42 : memref<1x109824xf32, #tpu.memory_space<hbm>> -> memref<109824xf32, #tpu.memory_space<hbm>>
      %dma_wait3A_44 = arith.constant 0 : i32
      %dma_wait3A_45 = tpu.memref_slice %arg2[%select_n3A, %dma_wait3A_44] : memref<16x109824xf32, #tpu.memory_space<hbm>> -> memref<1x109824xf32, #tpu.memory_space<hbm>>
      %dma_wait3A_46 = tpu.memref_squeeze %dma_wait3A_45 : memref<1x109824xf32, #tpu.memory_space<hbm>> -> memref<109824xf32, #tpu.memory_space<hbm>>
      tpu.wait_dma2 semaphore(%run_scoped3A : memref<!tpu.dma_semaphore, #tpu.memory_space<semaphore_mem>>) src(%dma_wait3A_46 : memref<109824xf32, #tpu.memory_space<hbm>>) dst(%arg5 : memref<109824xf32, #tpu.memory_space<vmem>>)
      tpu.yield
    }) : () -> ()
    %scan3A = arith.constant 0 : i32
    %scan3A_31 = arith.constant 0 : i32
    %scan3A_32 = arith.constant 32 : i32
    %scan3A_33 = arith.addi %scan3A_31, %scan3A_32 : i32
    %scan3A_34 = arith.constant 1 : i32
    %scan3A_35 = scf.for %scan3A_37 = %scan3A_31 to %scan3A_33 step %scan3A_34 iter_args(%scan3A_38 = %scan3A) -> (i32)  : i32 {
      %mul3A_39 = arith.constant 256 : i32
      %mul3A_40 = arith.muli %select_n3A_30, %mul3A_39 : i32
      %mul3A_41 = arith.constant 8 : i32
      %mul3A_42 = arith.muli %scan3A_37, %mul3A_41 : i32
      %add3A_43 = arith.addi %mul3A_40, %mul3A_42 : i32
      "tpu.region"() ({
        %run_scoped3A = tpu.sem_alloc : memref<!tpu.dma_semaphore, #tpu.memory_space<semaphore_mem>>
        %dma_start3A = arith.constant 0 : i32
        %dma_start3A_52 = arith.constant 0 : i32
        %dma_start3A_53 = tpu.memref_slice %arg3[%select_n3A, %dma_start3A, %add3A_43, %dma_start3A_52] : memref<16x3x512x512xf32, #tpu.memory_space<hbm>> -> memref<1x3x8x512xf32, #tpu.memory_space<hbm>>
        %dma_start3A_54 = tpu.memref_squeeze %dma_start3A_53 : memref<1x3x8x512xf32, #tpu.memory_space<hbm>> -> memref<3x8x512xf32, #tpu.memory_space<hbm>>
        %dma_start3A_55 = arith.constant 0 : i32
        %dma_start3A_56 = arith.constant 0 : i32
        %dma_start3A_57 = tpu.memref_slice %arg3[%select_n3A, %dma_start3A_55, %add3A_43, %dma_start3A_56] : memref<16x3x512x512xf32, #tpu.memory_space<hbm>> -> memref<1x3x8x512xf32, #tpu.memory_space<hbm>>
        %dma_start3A_58 = tpu.memref_squeeze %dma_start3A_57 : memref<1x3x8x512xf32, #tpu.memory_space<hbm>> -> memref<3x8x512xf32, #tpu.memory_space<hbm>>
        tpu.enqueue_dma source(%dma_start3A_58 : memref<3x8x512xf32, #tpu.memory_space<hbm>>) target(%arg6 : memref<3x8x512xf32, #tpu.memory_space<vmem>>) target_semaphore(%run_scoped3A : memref<!tpu.dma_semaphore, #tpu.memory_space<semaphore_mem>>)
        %dma_wait3A = arith.constant 0 : i32
        %dma_wait3A_59 = arith.constant 0 : i32
        %dma_wait3A_60 = tpu.memref_slice %arg3[%select_n3A, %dma_wait3A, %add3A_43, %dma_wait3A_59] : memref<16x3x512x512xf32, #tpu.memory_space<hbm>> -> memref<1x3x8x512xf32, #tpu.memory_space<hbm>>
        %dma_wait3A_61 = tpu.memref_squeeze %dma_wait3A_60 : memref<1x3x8x512xf32, #tpu.memory_space<hbm>> -> memref<3x8x512xf32, #tpu.memory_space<hbm>>
        %dma_wait3A_62 = arith.constant 0 : i32
        %dma_wait3A_63 = arith.constant 0 : i32
        %dma_wait3A_64 = tpu.memref_slice %arg3[%select_n3A, %dma_wait3A_62, %add3A_43, %dma_wait3A_63] : memref<16x3x512x512xf32, #tpu.memory_space<hbm>> -> memref<1x3x8x512xf32, #tpu.memory_space<hbm>>
        %dma_wait3A_65 = tpu.memref_squeeze %dma_wait3A_64 : memref<1x3x8x512xf32, #tpu.memory_space<hbm>> -> memref<3x8x512xf32, #tpu.memory_space<hbm>>
        tpu.wait_dma2 semaphore(%run_scoped3A : memref<!tpu.dma_semaphore, #tpu.memory_space<semaphore_mem>>) src(%dma_wait3A_65 : memref<3x8x512xf32, #tpu.memory_space<hbm>>) dst(%arg6 : memref<3x8x512xf32, #tpu.memory_space<vmem>>)
        tpu.yield
      }) : () -> ()
      %scan3A_44 = arith.constant 0 : i32
      %scan3A_45 = arith.constant 0 : i32
      %scan3A_46 = arith.constant 256 : i32
      %scan3A_47 = arith.addi %scan3A_45, %scan3A_46 : i32
      %scan3A_48 = arith.constant 1 : i32
      %scan3A_49 = scf.for %scan3A_52 = %scan3A_45 to %scan3A_47 step %scan3A_48 iter_args(%scan3A_53 = %scan3A_44) -> (i32)  : i32 {
        %shift_right_arithmetic3A = arith.constant 5 : i32
        %shift_right_arithmetic3A_54 = arith.shrsi %scan3A_52, %shift_right_arithmetic3A : i32
        %and3A_55 = arith.constant 31 : i32
        %and3A_56 = arith.andi %scan3A_52, %and3A_55 : i32
        %shift_left3A = arith.constant 4 : i32
        %shift_left3A_57 = arith.shli %and3A_56, %shift_left3A : i32
        %multiple_of3A = tpu.assume_multiple %shift_left3A_57, 16 : i32
        %get3A = arith.constant 0 : i32
        %get3A_58 = arith.index_cast %get3A : i32 to index
        %get3A_59 = arith.index_cast %shift_right_arithmetic3A_54 : i32 to index
        %get3A_60 = arith.index_cast %multiple_of3A : i32 to index
        %get3A_61 = tpu.vector_load %arg6[%get3A_58, %get3A_59, %get3A_60] {strides = array<i32>} : memref<3x8x512xf32, #tpu.memory_space<vmem>>, vector<16xf32>,
        %get3A_62 = arith.constant 1 : i32
        %get3A_63 = arith.index_cast %get3A_62 : i32 to index
        %get3A_64 = arith.index_cast %shift_right_arithmetic3A_54 : i32 to index
        %get3A_65 = arith.index_cast %multiple_of3A : i32 to index
        %get3A_66 = tpu.vector_load %arg6[%get3A_63, %get3A_64, %get3A_65] {strides = array<i32>} : memref<3x8x512xf32, #tpu.memory_space<vmem>>, vector<16xf32>,
        %get3A_67 = arith.constant 2 : i32
        %get3A_68 = arith.index_cast %get3A_67 : i32 to index
        %get3A_69 = arith.index_cast %shift_right_arithmetic3A_54 : i32 to index
        %get3A_70 = arith.index_cast %multiple_of3A : i32 to index
        %get3A_71 = tpu.vector_load %arg6[%get3A_68, %get3A_69, %get3A_70] {strides = array<i32>} : memref<3x8x512xf32, #tpu.memory_space<vmem>>, vector<16xf32>,
        %mul3A_72 = arith.constant 3.200000e+01 : f32
        %mul3A_73 = vector.broadcast %mul3A_72 : f32 to vector<16xf32>
        %mul3A_74 = arith.mulf %get3A_61, %mul3A_73 : vector<16xf32>
        %jit3A_75 = arith.constant 0.000000e+00 : f32
        %jit3A_76 = arith.constant 31.9999981 : f32
        %max3A = vector.broadcast %jit3A_75 : f32 to vector<16xf32>
        %max3A_77 = arith.maximumf %max3A, %mul3A_74 : vector<16xf32>
        %min3A = vector.broadcast %jit3A_76 : f32 to vector<16xf32>
        %min3A_78 = arith.minimumf %min3A, %max3A_77 : vector<16xf32>
        %mul3A_79 = arith.constant 3.200000e+01 : f32
        %mul3A_80 = vector.broadcast %mul3A_79 : f32 to vector<16xf32>
        %mul3A_81 = arith.mulf %get3A_66, %mul3A_80 : vector<16xf32>
        %jit3A_82 = arith.constant 0.000000e+00 : f32
        %jit3A_83 = arith.constant 31.9999981 : f32
        %max3A_84 = vector.broadcast %jit3A_82 : f32 to vector<16xf32>
        %max3A_85 = arith.maximumf %max3A_84, %mul3A_81 : vector<16xf32>
        %min3A_86 = vector.broadcast %jit3A_83 : f32 to vector<16xf32>
        %min3A_87 = arith.minimumf %min3A_86, %max3A_85 : vector<16xf32>
        %mul3A_88 = arith.constant 3.200000e+01 : f32
        %mul3A_89 = vector.broadcast %mul3A_88 : f32 to vector<16xf32>
        %mul3A_90 = arith.mulf %get3A_71, %mul3A_89 : vector<16xf32>
        %jit3A_91 = arith.constant 0.000000e+00 : f32
        %jit3A_92 = arith.constant 31.9999981 : f32
        %max3A_93 = vector.broadcast %jit3A_91 : f32 to vector<16xf32>
        %max3A_94 = arith.maximumf %max3A_93, %mul3A_90 : vector<16xf32>
        %min3A_95 = vector.broadcast %jit3A_92 : f32 to vector<16xf32>
        %min3A_96 = arith.minimumf %min3A_95, %max3A_94 : vector<16xf32>
        %convert_element_type3A = arith.fptosi %min3A_78 : vector<16xf32> to vector<16xi32>
        %convert_element_type3A_97 = arith.fptosi %min3A_87 : vector<16xf32> to vector<16xi32>
        %convert_element_type3A_98 = arith.fptosi %min3A_96 : vector<16xf32> to vector<16xi32>
        %convert_element_type3A_99 = arith.sitofp %convert_element_type3A : vector<16xi32> to vector<16xf32>
        %sub3A_100 = arith.subf %min3A_78, %convert_element_type3A_99 : vector<16xf32>
        %convert_element_type3A_101 = arith.sitofp %convert_element_type3A_97 : vector<16xi32> to vector<16xf32>
        %sub3A_102 = arith.subf %min3A_87, %convert_element_type3A_101 : vector<16xf32>
        %convert_element_type3A_103 = arith.sitofp %convert_element_type3A_98 : vector<16xi32> to vector<16xf32>
        %sub3A_104 = arith.subf %min3A_96, %convert_element_type3A_103 : vector<16xf32>
        %mul3A_105 = arith.constant 3328 : i32
        %mul3A_106 = vector.broadcast %mul3A_105 : i32 to vector<16xi32>
        %mul3A_107 = arith.muli %convert_element_type3A, %mul3A_106 : vector<16xi32>
        %mul3A_108 = arith.constant 99 : i32
        %mul3A_109 = vector.broadcast %mul3A_108 : i32 to vector<16xi32>
        %mul3A_110 = arith.muli %convert_element_type3A_97, %mul3A_109 : vector<16xi32>
        %mul3A_111 = arith.constant 3 : i32
        %mul3A_112 = vector.broadcast %mul3A_111 : i32 to vector<16xi32>
        %mul3A_113 = arith.muli %convert_element_type3A_98, %mul3A_112 : vector<16xi32>
        %add3A_114 = arith.constant 3328 : i32
        %add3A_115 = vector.broadcast %add3A_114 : i32 to vector<16xi32>
        %add3A_116 = arith.addi %mul3A_107, %add3A_115 : vector<16xi32>
        %min3A_117 = arith.constant 106496 : i32
        %min3A_118 = vector.broadcast %min3A_117 : i32 to vector<16xi32>
        %min3A_119 = arith.minsi %add3A_116, %min3A_118 : vector<16xi32>
        %add3A_120 = arith.constant 99 : i32
        %add3A_121 = vector.broadcast %add3A_120 : i32 to vector<16xi32>
        %add3A_122 = arith.addi %mul3A_110, %add3A_121 : vector<16xi32>
        %min3A_123 = arith.constant 3168 : i32
        %min3A_124 = vector.broadcast %min3A_123 : i32 to vector<16xi32>
        %min3A_125 = arith.minsi %add3A_122, %min3A_124 : vector<16xi32>
        %add3A_126 = arith.constant 3 : i32
        %add3A_127 = vector.broadcast %add3A_126 : i32 to vector<16xi32>
        %add3A_128 = arith.addi %mul3A_113, %add3A_127 : vector<16xi32>
        %min3A_129 = arith.constant 96 : i32
        %min3A_130 = vector.broadcast %min3A_129 : i32 to vector<16xi32>
        %min3A_131 = arith.minsi %add3A_128, %min3A_130 : vector<16xi32>
        %add3A_132 = arith.addi %mul3A_107, %mul3A_110 : vector<16xi32>
        %add3A_133 = arith.addi %mul3A_107, %min3A_125 : vector<16xi32>
        %add3A_134 = arith.addi %min3A_119, %mul3A_110 : vector<16xi32>
        %add3A_135 = arith.addi %min3A_119, %min3A_125 : vector<16xi32>
        %add3A_136 = arith.addi %add3A_132, %mul3A_113 : vector<16xi32>
        %add3A_137 = arith.addi %add3A_134, %mul3A_113 : vector<16xi32>
        %add3A_138 = arith.addi %add3A_133, %mul3A_113 : vector<16xi32>
        %add3A_139 = arith.addi %add3A_135, %mul3A_113 : vector<16xi32>
        %add3A_140 = arith.addi %add3A_132, %min3A_131 : vector<16xi32>
        %add3A_141 = arith.addi %add3A_134, %min3A_131 : vector<16xi32>
        %add3A_142 = arith.addi %add3A_133, %min3A_131 : vector<16xi32>
        %add3A_143 = arith.addi %add3A_135, %min3A_131 : vector<16xi32>
        %gather3A = tpu.vector_load_idx %arg5[%add3A_136] : memref<109824xf32, #tpu.memory_space<vmem>>[vector<16xi32>], vector<16xf32>,
        %gather3A_144 = tpu.vector_load_idx %arg5[%add3A_137] : memref<109824xf32, #tpu.memory_space<vmem>>[vector<16xi32>], vector<16xf32>,
        %gather3A_145 = tpu.vector_load_idx %arg5[%add3A_138] : memref<109824xf32, #tpu.memory_space<vmem>>[vector<16xi32>], vector<16xf32>,
        %gather3A_146 = tpu.vector_load_idx %arg5[%add3A_139] : memref<109824xf32, #tpu.memory_space<vmem>>[vector<16xi32>], vector<16xf32>,
        %gather3A_147 = tpu.vector_load_idx %arg5[%add3A_140] : memref<109824xf32, #tpu.memory_space<vmem>>[vector<16xi32>], vector<16xf32>,
        %gather3A_148 = tpu.vector_load_idx %arg5[%add3A_141] : memref<109824xf32, #tpu.memory_space<vmem>>[vector<16xi32>], vector<16xf32>,
        %gather3A_149 = tpu.vector_load_idx %arg5[%add3A_142] : memref<109824xf32, #tpu.memory_space<vmem>>[vector<16xi32>], vector<16xf32>,
        %gather3A_150 = tpu.vector_load_idx %arg5[%add3A_143] : memref<109824xf32, #tpu.memory_space<vmem>>[vector<16xi32>], vector<16xf32>,
        %sub3A_151 = arith.subf %gather3A_144, %gather3A : vector<16xf32>
        %mul3A_152 = arith.mulf %sub3A_100, %sub3A_151 : vector<16xf32>
        %add3A_153 = arith.addf %gather3A, %mul3A_152 : vector<16xf32>
        %sub3A_154 = arith.subf %gather3A_146, %gather3A_145 : vector<16xf32>
        %mul3A_155 = arith.mulf %sub3A_100, %sub3A_154 : vector<16xf32>
        %add3A_156 = arith.addf %gather3A_145, %mul3A_155 : vector<16xf32>
        %sub3A_157 = arith.subf %gather3A_148, %gather3A_147 : vector<16xf32>
        %mul3A_158 = arith.mulf %sub3A_100, %sub3A_157 : vector<16xf32>
        %add3A_159 = arith.addf %gather3A_147, %mul3A_158 : vector<16xf32>
        %sub3A_160 = arith.subf %gather3A_150, %gather3A_149 : vector<16xf32>
        %mul3A_161 = arith.mulf %sub3A_100, %sub3A_160 : vector<16xf32>
        %add3A_162 = arith.addf %gather3A_149, %mul3A_161 : vector<16xf32>
        %sub3A_163 = arith.subf %add3A_156, %add3A_153 : vector<16xf32>
        %mul3A_164 = arith.mulf %sub3A_102, %sub3A_163 : vector<16xf32>
        %add3A_165 = arith.addf %add3A_153, %mul3A_164 : vector<16xf32>
        %sub3A_166 = arith.subf %add3A_162, %add3A_159 : vector<16xf32>
        %mul3A_167 = arith.mulf %sub3A_102, %sub3A_166 : vector<16xf32>
        %add3A_168 = arith.addf %add3A_159, %mul3A_167 : vector<16xf32>
        %sub3A_169 = arith.subf %add3A_168, %add3A_165 : vector<16xf32>
        %mul3A_170 = arith.mulf %sub3A_104, %sub3A_169 : vector<16xf32>
        %add3A_171 = arith.addf %add3A_165, %mul3A_170 : vector<16xf32>
        %add3A_172 = arith.constant 1 : i32
        %add3A_173 = vector.broadcast %add3A_172 : i32 to vector<16xi32>
        %add3A_174 = arith.addi %add3A_136, %add3A_173 : vector<16xi32>
        %gather3A_175 = tpu.vector_load_idx %arg5[%add3A_174] : memref<109824xf32, #tpu.memory_space<vmem>>[vector<16xi32>], vector<16xf32>,
        %add3A_176 = arith.constant 1 : i32
        %add3A_177 = vector.broadcast %add3A_176 : i32 to vector<16xi32>
        %add3A_178 = arith.addi %add3A_137, %add3A_177 : vector<16xi32>
        %gather3A_179 = tpu.vector_load_idx %arg5[%add3A_178] : memref<109824xf32, #tpu.memory_space<vmem>>[vector<16xi32>], vector<16xf32>,
        %add3A_180 = arith.constant 1 : i32
        %add3A_181 = vector.broadcast %add3A_180 : i32 to vector<16xi32>
        %add3A_182 = arith.addi %add3A_138, %add3A_181 : vector<16xi32>
        %gather3A_183 = tpu.vector_load_idx %arg5[%add3A_182] : memref<109824xf32, #tpu.memory_space<vmem>>[vector<16xi32>], vector<16xf32>,
        %add3A_184 = arith.constant 1 : i32
        %add3A_185 = vector.broadcast %add3A_184 : i32 to vector<16xi32>
        %add3A_186 = arith.addi %add3A_139, %add3A_185 : vector<16xi32>
        %gather3A_187 = tpu.vector_load_idx %arg5[%add3A_186] : memref<109824xf32, #tpu.memory_space<vmem>>[vector<16xi32>], vector<16xf32>,
        %add3A_188 = arith.constant 1 : i32
        %add3A_189 = vector.broadcast %add3A_188 : i32 to vector<16xi32>
        %add3A_190 = arith.addi %add3A_140, %add3A_189 : vector<16xi32>
        %gather3A_191 = tpu.vector_load_idx %arg5[%add3A_190] : memref<109824xf32, #tpu.memory_space<vmem>>[vector<16xi32>], vector<16xf32>,
        %add3A_192 = arith.constant 1 : i32
        %add3A_193 = vector.broadcast %add3A_192 : i32 to vector<16xi32>
        %add3A_194 = arith.addi %add3A_141, %add3A_193 : vector<16xi32>
        %gather3A_195 = tpu.vector_load_idx %arg5[%add3A_194] : memref<109824xf32, #tpu.memory_space<vmem>>[vector<16xi32>], vector<16xf32>,
        %add3A_196 = arith.constant 1 : i32
        %add3A_197 = vector.broadcast %add3A_196 : i32 to vector<16xi32>
        %add3A_198 = arith.addi %add3A_142, %add3A_197 : vector<16xi32>
        %gather3A_199 = tpu.vector_load_idx %arg5[%add3A_198] : memref<109824xf32, #tpu.memory_space<vmem>>[vector<16xi32>], vector<16xf32>,
        %add3A_200 = arith.constant 1 : i32
        %add3A_201 = vector.broadcast %add3A_200 : i32 to vector<16xi32>
        %add3A_202 = arith.addi %add3A_143, %add3A_201 : vector<16xi32>
        %gather3A_203 = tpu.vector_load_idx %arg5[%add3A_202] : memref<109824xf32, #tpu.memory_space<vmem>>[vector<16xi32>], vector<16xf32>,
        %sub3A_204 = arith.subf %gather3A_179, %gather3A_175 : vector<16xf32>
        %mul3A_205 = arith.mulf %sub3A_100, %sub3A_204 : vector<16xf32>
        %add3A_206 = arith.addf %gather3A_175, %mul3A_205 : vector<16xf32>
        %sub3A_207 = arith.subf %gather3A_187, %gather3A_183 : vector<16xf32>
        %mul3A_208 = arith.mulf %sub3A_100, %sub3A_207 : vector<16xf32>
        %add3A_209 = arith.addf %gather3A_183, %mul3A_208 : vector<16xf32>
        %sub3A_210 = arith.subf %gather3A_195, %gather3A_191 : vector<16xf32>
        %mul3A_211 = arith.mulf %sub3A_100, %sub3A_210 : vector<16xf32>
        %add3A_212 = arith.addf %gather3A_191, %mul3A_211 : vector<16xf32>
        %sub3A_213 = arith.subf %gather3A_203, %gather3A_199 : vector<16xf32>
        %mul3A_214 = arith.mulf %sub3A_100, %sub3A_213 : vector<16xf32>
        %add3A_215 = arith.addf %gather3A_199, %mul3A_214 : vector<16xf32>
        %sub3A_216 = arith.subf %add3A_209, %add3A_206 : vector<16xf32>
        %mul3A_217 = arith.mulf %sub3A_102, %sub3A_216 : vector<16xf32>
        %add3A_218 = arith.addf %add3A_206, %mul3A_217 : vector<16xf32>
        %sub3A_219 = arith.subf %add3A_215, %add3A_212 : vector<16xf32>
        %mul3A_220 = arith.mulf %sub3A_102, %sub3A_219 : vector<16xf32>
        %add3A_221 = arith.addf %add3A_212, %mul3A_220 : vector<16xf32>
        %sub3A_222 = arith.subf %add3A_221, %add3A_218 : vector<16xf32>
        %mul3A_223 = arith.mulf %sub3A_104, %sub3A_222 : vector<16xf32>
        %add3A_224 = arith.addf %add3A_218, %mul3A_223 : vector<16xf32>
        %add3A_225 = arith.constant 2 : i32
        %add3A_226 = vector.broadcast %add3A_225 : i32 to vector<16xi32>
        %add3A_227 = arith.addi %add3A_136, %add3A_226 : vector<16xi32>
        %gather3A_228 = tpu.vector_load_idx %arg5[%add3A_227] : memref<109824xf32, #tpu.memory_space<vmem>>[vector<16xi32>], vector<16xf32>,
        %add3A_229 = arith.constant 2 : i32
        %add3A_230 = vector.broadcast %add3A_229 : i32 to vector<16xi32>
        %add3A_231 = arith.addi %add3A_137, %add3A_230 : vector<16xi32>
        %gather3A_232 = tpu.vector_load_idx %arg5[%add3A_231] : memref<109824xf32, #tpu.memory_space<vmem>>[vector<16xi32>], vector<16xf32>,
        %add3A_233 = arith.constant 2 : i32
        %add3A_234 = vector.broadcast %add3A_233 : i32 to vector<16xi32>
        %add3A_235 = arith.addi %add3A_138, %add3A_234 : vector<16xi32>
        %gather3A_236 = tpu.vector_load_idx %arg5[%add3A_235] : memref<109824xf32, #tpu.memory_space<vmem>>[vector<16xi32>], vector<16xf32>,
        %add3A_237 = arith.constant 2 : i32
        %add3A_238 = vector.broadcast %add3A_237 : i32 to vector<16xi32>
        %add3A_239 = arith.addi %add3A_139, %add3A_238 : vector<16xi32>
        %gather3A_240 = tpu.vector_load_idx %arg5[%add3A_239] : memref<109824xf32, #tpu.memory_space<vmem>>[vector<16xi32>], vector<16xf32>,
        %add3A_241 = arith.constant 2 : i32
        %add3A_242 = vector.broadcast %add3A_241 : i32 to vector<16xi32>
        %add3A_243 = arith.addi %add3A_140, %add3A_242 : vector<16xi32>
        %gather3A_244 = tpu.vector_load_idx %arg5[%add3A_243] : memref<109824xf32, #tpu.memory_space<vmem>>[vector<16xi32>], vector<16xf32>,
        %add3A_245 = arith.constant 2 : i32
        %add3A_246 = vector.broadcast %add3A_245 : i32 to vector<16xi32>
        %add3A_247 = arith.addi %add3A_141, %add3A_246 : vector<16xi32>
        %gather3A_248 = tpu.vector_load_idx %arg5[%add3A_247] : memref<109824xf32, #tpu.memory_space<vmem>>[vector<16xi32>], vector<16xf32>,
        %add3A_249 = arith.constant 2 : i32
        %add3A_250 = vector.broadcast %add3A_249 : i32 to vector<16xi32>
        %add3A_251 = arith.addi %add3A_142, %add3A_250 : vector<16xi32>
        %gather3A_252 = tpu.vector_load_idx %arg5[%add3A_251] : memref<109824xf32, #tpu.memory_space<vmem>>[vector<16xi32>], vector<16xf32>,
        %add3A_253 = arith.constant 2 : i32
        %add3A_254 = vector.broadcast %add3A_253 : i32 to vector<16xi32>
        %add3A_255 = arith.addi %add3A_143, %add3A_254 : vector<16xi32>
        %gather3A_256 = tpu.vector_load_idx %arg5[%add3A_255] : memref<109824xf32, #tpu.memory_space<vmem>>[vector<16xi32>], vector<16xf32>,
        %sub3A_257 = arith.subf %gather3A_232, %gather3A_228 : vector<16xf32>
        %mul3A_258 = arith.mulf %sub3A_100, %sub3A_257 : vector<16xf32>
        %add3A_259 = arith.addf %gather3A_228, %mul3A_258 : vector<16xf32>
        %sub3A_260 = arith.subf %gather3A_240, %gather3A_236 : vector<16xf32>
        %mul3A_261 = arith.mulf %sub3A_100, %sub3A_260 : vector<16xf32>
        %add3A_262 = arith.addf %gather3A_236, %mul3A_261 : vector<16xf32>
        %sub3A_263 = arith.subf %gather3A_248, %gather3A_244 : vector<16xf32>
        %mul3A_264 = arith.mulf %sub3A_100, %sub3A_263 : vector<16xf32>
        %add3A_265 = arith.addf %gather3A_244, %mul3A_264 : vector<16xf32>
        %sub3A_266 = arith.subf %gather3A_256, %gather3A_252 : vector<16xf32>
        %mul3A_267 = arith.mulf %sub3A_100, %sub3A_266 : vector<16xf32>
        %add3A_268 = arith.addf %gather3A_252, %mul3A_267 : vector<16xf32>
        %sub3A_269 = arith.subf %add3A_262, %add3A_259 : vector<16xf32>
        %mul3A_270 = arith.mulf %sub3A_102, %sub3A_269 : vector<16xf32>
        %add3A_271 = arith.addf %add3A_259, %mul3A_270 : vector<16xf32>
        %sub3A_272 = arith.subf %add3A_268, %add3A_265 : vector<16xf32>
        %mul3A_273 = arith.mulf %sub3A_102, %sub3A_272 : vector<16xf32>
        %add3A_274 = arith.addf %add3A_265, %mul3A_273 : vector<16xf32>
        %sub3A_275 = arith.subf %add3A_274, %add3A_271 : vector<16xf32>
        %mul3A_276 = arith.mulf %sub3A_104, %sub3A_275 : vector<16xf32>
        %add3A_277 = arith.addf %add3A_271, %mul3A_276 : vector<16xf32>
        %swap3A = arith.constant 0 : i32
        %swap3A_278 = arith.index_cast %swap3A : i32 to index
        %swap3A_279 = arith.index_cast %shift_right_arithmetic3A_54 : i32 to index
        %swap3A_280 = arith.index_cast %multiple_of3A : i32 to index
        %swap3A_281 = tpu.vector_load %arg6[%swap3A_278, %swap3A_279, %swap3A_280] {strides = array<i32>} : memref<3x8x512xf32, #tpu.memory_space<vmem>>, vector<16xf32>,
        tpu.vector_store %arg6[%swap3A_278, %swap3A_279, %swap3A_280], %add3A_171 {strides = array<i32>} : memref<3x8x512xf32, #tpu.memory_space<vmem>>, vector<16xf32>,
        %swap3A_282 = arith.constant 1 : i32
        %swap3A_283 = arith.index_cast %swap3A_282 : i32 to index
        %swap3A_284 = arith.index_cast %shift_right_arithmetic3A_54 : i32 to index
        %swap3A_285 = arith.index_cast %multiple_of3A : i32 to index
        %swap3A_286 = tpu.vector_load %arg6[%swap3A_283, %swap3A_284, %swap3A_285] {strides = array<i32>} : memref<3x8x512xf32, #tpu.memory_space<vmem>>, vector<16xf32>,
        tpu.vector_store %arg6[%swap3A_283, %swap3A_284, %swap3A_285], %add3A_224 {strides = array<i32>} : memref<3x8x512xf32, #tpu.memory_space<vmem>>, vector<16xf32>,
        %swap3A_287 = arith.constant 2 : i32
        %swap3A_288 = arith.index_cast %swap3A_287 : i32 to index
        %swap3A_289 = arith.index_cast %shift_right_arithmetic3A_54 : i32 to index
        %swap3A_290 = arith.index_cast %multiple_of3A : i32 to index
        %swap3A_291 = tpu.vector_load %arg6[%swap3A_288, %swap3A_289, %swap3A_290] {strides = array<i32>} : memref<3x8x512xf32, #tpu.memory_space<vmem>>, vector<16xf32>,
        tpu.vector_store %arg6[%swap3A_288, %swap3A_289, %swap3A_290], %add3A_277 {strides = array<i32>} : memref<3x8x512xf32, #tpu.memory_space<vmem>>, vector<16xf32>,
        %scan3A_292 = arith.constant 0 : i32
        scf.yield %scan3A_292 : i32
      }
      %scan3A_50 = arith.constant 256 : i32
      "tpu.region"() ({
        %run_scoped3A = tpu.sem_alloc : memref<!tpu.dma_semaphore, #tpu.memory_space<semaphore_mem>>
        %dma_start3A = arith.constant 0 : i32
        %dma_start3A_52 = arith.constant 0 : i32
        %dma_start3A_53 = tpu.memref_slice %arg4[%select_n3A, %dma_start3A, %add3A_43, %dma_start3A_52] : memref<16x3x512x512xf32, #tpu.memory_space<hbm>> -> memref<1x3x8x512xf32, #tpu.memory_space<hbm>>
        %dma_start3A_54 = tpu.memref_squeeze %dma_start3A_53 : memref<1x3x8x512xf32, #tpu.memory_space<hbm>> -> memref<3x8x512xf32, #tpu.memory_space<hbm>>
        %dma_start3A_55 = arith.constant 0 : i32
        %dma_start3A_56 = arith.constant 0 : i32
        %dma_start3A_57 = tpu.memref_slice %arg4[%select_n3A, %dma_start3A_55, %add3A_43, %dma_start3A_56] : memref<16x3x512x512xf32, #tpu.memory_space<hbm>> -> memref<1x3x8x512xf32, #tpu.memory_space<hbm>>
        %dma_start3A_58 = tpu.memref_squeeze %dma_start3A_57 : memref<1x3x8x512xf32, #tpu.memory_space<hbm>> -> memref<3x8x512xf32, #tpu.memory_space<hbm>>
        tpu.enqueue_dma source(%arg6 : memref<3x8x512xf32, #tpu.memory_space<vmem>>) target(%dma_start3A_58 : memref<3x8x512xf32, #tpu.memory_space<hbm>>) target_semaphore(%run_scoped3A : memref<!tpu.dma_semaphore, #tpu.memory_space<semaphore_mem>>)
        %dma_wait3A = arith.constant 0 : i32
        %dma_wait3A_59 = arith.constant 0 : i32
        %dma_wait3A_60 = tpu.memref_slice %arg4[%select_n3A, %dma_wait3A, %add3A_43, %dma_wait3A_59] : memref<16x3x512x512xf32, #tpu.memory_space<hbm>> -> memref<1x3x8x512xf32, #tpu.memory_space<hbm>>
        %dma_wait3A_61 = tpu.memref_squeeze %dma_wait3A_60 : memref<1x3x8x512xf32, #tpu.memory_space<hbm>> -> memref<3x8x512xf32, #tpu.memory_space<hbm>>
        %dma_wait3A_62 = arith.constant 0 : i32
        %dma_wait3A_63 = arith.constant 0 : i32
        %dma_wait3A_64 = tpu.memref_slice %arg4[%select_n3A, %dma_wait3A_62, %add3A_43, %dma_wait3A_63] : memref<16x3x512x512xf32, #tpu.memory_space<hbm>> -> memref<1x3x8x512xf32, #tpu.memory_space<hbm>>
        %dma_wait3A_65 = tpu.memref_squeeze %dma_wait3A_64 : memref<1x3x8x512xf32, #tpu.memory_space<hbm>> -> memref<3x8x512xf32, #tpu.memory_space<hbm>>
        tpu.wait_dma2 semaphore(%run_scoped3A : memref<!tpu.dma_semaphore, #tpu.memory_space<semaphore_mem>>) src(%arg6 : memref<3x8x512xf32, #tpu.memory_space<vmem>>) dst(%dma_wait3A_65 : memref<3x8x512xf32, #tpu.memory_space<hbm>>)
        tpu.yield
      }) : () -> ()
      %scan3A_51 = arith.constant 0 : i32
      scf.yield %scan3A_51 : i32
    }
    %scan3A_36 = arith.constant 32 : i32
    return
  }
}

module attributes {stable_mosaic.version = 14 : i64} {
  func.func @_lut_build_body(%arg0: i32, %arg1: memref<1x1x8xf32, #tpu.memory_space<smem>>, %arg2: memref<1x8x33xf32, #tpu.memory_space<vmem>>, %arg3: memref<1x8x3267xf32, #tpu.memory_space<vmem>>, %arg4: memref<8x33x3267xf32, #tpu.memory_space<vmem>>, %arg5: memref<1x33x3267xf32, #tpu.memory_space<vmem>>, %arg6: memref<1x33x3267xf32, #tpu.memory_space<vmem>>, %arg7: memref<1x33x3328xf32, #tpu.memory_space<vmem>>, %arg8: memref<1x1x1xf32, #tpu.memory_space<smem>>) attributes {dimension_semantics = [#tpu.dimension_semantics<arbitrary>], iteration_bounds = array<i64: 16>, scalar_prefetch = 0 : i64, scratch_operands = 0 : i64, tpu.core_type = #tpu.core_type<tc>, window_params = [{transform_indices = @transform_0, window_bounds = array<i64: 1, 1, 8>}, {transform_indices = @transform_1, window_bounds = array<i64: 1, 8, 33>}, {transform_indices = @transform_2, window_bounds = array<i64: 1, 8, 3267>}, {pipeline_mode = #tpu.pipeline_mode<synchronous>, transform_indices = @transform_3, window_bounds = array<i64: 8, 33, 3267>}, {transform_indices = @transform_4, window_bounds = array<i64: 1, 33, 3267>}, {transform_indices = @transform_5, window_bounds = array<i64: 1, 33, 3267>}, {transform_indices = @transform_6, window_bounds = array<i64: 1, 33, 3328>}, {transform_indices = @transform_7, window_bounds = array<i64: 1, 1, 1>}]} {
    %get3A = arith.constant 0 : index
    %get3A_0 = arith.constant 0 : index
    %get3A_1 = arith.constant 0 : index
    %get3A_2 = vector.load %arg2[%get3A, %get3A_0, %get3A_1] : memref<1x8x33xf32, #tpu.memory_space<vmem>>, vector<1x8x33xf32>
    %get3A_3 = vector.shape_cast %get3A_2 : vector<1x8x33xf32> to vector<8x33xf32>
    %get3A_4 = arith.constant 0 : index
    %get3A_5 = arith.constant 0 : index
    %get3A_6 = arith.constant 0 : index
    %get3A_7 = vector.load %arg3[%get3A_4, %get3A_5, %get3A_6] : memref<1x8x3267xf32, #tpu.memory_space<vmem>>, vector<1x8x3267xf32>
    %get3A_8 = vector.shape_cast %get3A_7 : vector<1x8x3267xf32> to vector<8x3267xf32>
    %dot_general3A = arith.constant dense<0.000000e+00> : vector<33x3267xf32>
    %dot_general3A_9 = tpu.matmul %get3A_3, %get3A_8, %dot_general3A {dimension_numbers = #tpu.dot_dimension_numbers<[0], [0], [1], [1], [0, 1, 1, 1], [], []>, transpose_lhs_hint = false} : vector<8x33xf32>, vector<8x3267xf32>, vector<33x3267xf32> -> vector<33x3267xf32>
    %get3A_10 = arith.constant 0 : index
    %get3A_11 = arith.constant 0 : index
    %get3A_12 = arith.constant 0 : index
    %get3A_13 = memref.load %arg1[%get3A_10, %get3A_11, %get3A_12] : memref<1x1x8xf32, #tpu.memory_space<smem>>
    %get3A_14 = arith.constant 0 : index
    %get3A_15 = arith.constant 0 : index
    %get3A_16 = arith.constant 0 : index
    %get3A_17 = vector.load %arg4[%get3A_14, %get3A_15, %get3A_16] : memref<8x33x3267xf32, #tpu.memory_space<vmem>>, vector<1x33x3267xf32>
    %get3A_18 = vector.shape_cast %get3A_17 : vector<1x33x3267xf32> to vector<33x3267xf32>
    %mul3A = vector.broadcast %get3A_13 : f32 to vector<33x3267xf32>
    %mul3A_19 = arith.mulf %mul3A, %get3A_18 : vector<33x3267xf32>
    %get3A_20 = arith.constant 0 : index
    %get3A_21 = arith.constant 0 : index
    %get3A_22 = arith.constant 1 : index
    %get3A_23 = memref.load %arg1[%get3A_20, %get3A_21, %get3A_22] : memref<1x1x8xf32, #tpu.memory_space<smem>>
    %get3A_24 = arith.constant 1 : index
    %get3A_25 = arith.constant 0 : index
    %get3A_26 = arith.constant 0 : index
    %get3A_27 = vector.load %arg4[%get3A_24, %get3A_25, %get3A_26] : memref<8x33x3267xf32, #tpu.memory_space<vmem>>, vector<1x33x3267xf32>
    %get3A_28 = vector.shape_cast %get3A_27 : vector<1x33x3267xf32> to vector<33x3267xf32>
    %mul3A_29 = vector.broadcast %get3A_23 : f32 to vector<33x3267xf32>
    %mul3A_30 = arith.mulf %mul3A_29, %get3A_28 : vector<33x3267xf32>
    %add3A = arith.addf %mul3A_19, %mul3A_30 : vector<33x3267xf32>
    %get3A_31 = arith.constant 0 : index
    %get3A_32 = arith.constant 0 : index
    %get3A_33 = arith.constant 2 : index
    %get3A_34 = memref.load %arg1[%get3A_31, %get3A_32, %get3A_33] : memref<1x1x8xf32, #tpu.memory_space<smem>>
    %get3A_35 = arith.constant 2 : index
    %get3A_36 = arith.constant 0 : index
    %get3A_37 = arith.constant 0 : index
    %get3A_38 = vector.load %arg4[%get3A_35, %get3A_36, %get3A_37] : memref<8x33x3267xf32, #tpu.memory_space<vmem>>, vector<1x33x3267xf32>
    %get3A_39 = vector.shape_cast %get3A_38 : vector<1x33x3267xf32> to vector<33x3267xf32>
    %mul3A_40 = vector.broadcast %get3A_34 : f32 to vector<33x3267xf32>
    %mul3A_41 = arith.mulf %mul3A_40, %get3A_39 : vector<33x3267xf32>
    %add3A_42 = arith.addf %add3A, %mul3A_41 : vector<33x3267xf32>
    %get3A_43 = arith.constant 0 : index
    %get3A_44 = arith.constant 0 : index
    %get3A_45 = arith.constant 3 : index
    %get3A_46 = memref.load %arg1[%get3A_43, %get3A_44, %get3A_45] : memref<1x1x8xf32, #tpu.memory_space<smem>>
    %get3A_47 = arith.constant 3 : index
    %get3A_48 = arith.constant 0 : index
    %get3A_49 = arith.constant 0 : index
    %get3A_50 = vector.load %arg4[%get3A_47, %get3A_48, %get3A_49] : memref<8x33x3267xf32, #tpu.memory_space<vmem>>, vector<1x33x3267xf32>
    %get3A_51 = vector.shape_cast %get3A_50 : vector<1x33x3267xf32> to vector<33x3267xf32>
    %mul3A_52 = vector.broadcast %get3A_46 : f32 to vector<33x3267xf32>
    %mul3A_53 = arith.mulf %mul3A_52, %get3A_51 : vector<33x3267xf32>
    %add3A_54 = arith.addf %add3A_42, %mul3A_53 : vector<33x3267xf32>
    %get3A_55 = arith.constant 0 : index
    %get3A_56 = arith.constant 0 : index
    %get3A_57 = arith.constant 4 : index
    %get3A_58 = memref.load %arg1[%get3A_55, %get3A_56, %get3A_57] : memref<1x1x8xf32, #tpu.memory_space<smem>>
    %get3A_59 = arith.constant 4 : index
    %get3A_60 = arith.constant 0 : index
    %get3A_61 = arith.constant 0 : index
    %get3A_62 = vector.load %arg4[%get3A_59, %get3A_60, %get3A_61] : memref<8x33x3267xf32, #tpu.memory_space<vmem>>, vector<1x33x3267xf32>
    %get3A_63 = vector.shape_cast %get3A_62 : vector<1x33x3267xf32> to vector<33x3267xf32>
    %mul3A_64 = vector.broadcast %get3A_58 : f32 to vector<33x3267xf32>
    %mul3A_65 = arith.mulf %mul3A_64, %get3A_63 : vector<33x3267xf32>
    %add3A_66 = arith.addf %add3A_54, %mul3A_65 : vector<33x3267xf32>
    %get3A_67 = arith.constant 0 : index
    %get3A_68 = arith.constant 0 : index
    %get3A_69 = arith.constant 5 : index
    %get3A_70 = memref.load %arg1[%get3A_67, %get3A_68, %get3A_69] : memref<1x1x8xf32, #tpu.memory_space<smem>>
    %get3A_71 = arith.constant 5 : index
    %get3A_72 = arith.constant 0 : index
    %get3A_73 = arith.constant 0 : index
    %get3A_74 = vector.load %arg4[%get3A_71, %get3A_72, %get3A_73] : memref<8x33x3267xf32, #tpu.memory_space<vmem>>, vector<1x33x3267xf32>
    %get3A_75 = vector.shape_cast %get3A_74 : vector<1x33x3267xf32> to vector<33x3267xf32>
    %mul3A_76 = vector.broadcast %get3A_70 : f32 to vector<33x3267xf32>
    %mul3A_77 = arith.mulf %mul3A_76, %get3A_75 : vector<33x3267xf32>
    %add3A_78 = arith.addf %add3A_66, %mul3A_77 : vector<33x3267xf32>
    %get3A_79 = arith.constant 0 : index
    %get3A_80 = arith.constant 0 : index
    %get3A_81 = arith.constant 6 : index
    %get3A_82 = memref.load %arg1[%get3A_79, %get3A_80, %get3A_81] : memref<1x1x8xf32, #tpu.memory_space<smem>>
    %get3A_83 = arith.constant 6 : index
    %get3A_84 = arith.constant 0 : index
    %get3A_85 = arith.constant 0 : index
    %get3A_86 = vector.load %arg4[%get3A_83, %get3A_84, %get3A_85] : memref<8x33x3267xf32, #tpu.memory_space<vmem>>, vector<1x33x3267xf32>
    %get3A_87 = vector.shape_cast %get3A_86 : vector<1x33x3267xf32> to vector<33x3267xf32>
    %mul3A_88 = vector.broadcast %get3A_82 : f32 to vector<33x3267xf32>
    %mul3A_89 = arith.mulf %mul3A_88, %get3A_87 : vector<33x3267xf32>
    %add3A_90 = arith.addf %add3A_78, %mul3A_89 : vector<33x3267xf32>
    %get3A_91 = arith.constant 0 : index
    %get3A_92 = arith.constant 0 : index
    %get3A_93 = arith.constant 7 : index
    %get3A_94 = memref.load %arg1[%get3A_91, %get3A_92, %get3A_93] : memref<1x1x8xf32, #tpu.memory_space<smem>>
    %get3A_95 = arith.constant 7 : index
    %get3A_96 = arith.constant 0 : index
    %get3A_97 = arith.constant 0 : index
    %get3A_98 = vector.load %arg4[%get3A_95, %get3A_96, %get3A_97] : memref<8x33x3267xf32, #tpu.memory_space<vmem>>, vector<1x33x3267xf32>
    %get3A_99 = vector.shape_cast %get3A_98 : vector<1x33x3267xf32> to vector<33x3267xf32>
    %mul3A_100 = vector.broadcast %get3A_94 : f32 to vector<33x3267xf32>
    %mul3A_101 = arith.mulf %mul3A_100, %get3A_99 : vector<33x3267xf32>
    %add3A_102 = arith.addf %add3A_90, %mul3A_101 : vector<33x3267xf32>
    %add3A_103 = arith.addf %add3A_102, %dot_general3A_9 : vector<33x3267xf32>
    %swap3A = arith.constant 0 : index
    %swap3A_104 = arith.constant 0 : index
    %swap3A_105 = arith.constant 0 : index
    %swap3A_106 = vector.load %arg5[%swap3A, %swap3A_104, %swap3A_105] : memref<1x33x3267xf32, #tpu.memory_space<vmem>>, vector<1x33x3267xf32>
    %swap3A_107 = vector.shape_cast %swap3A_106 : vector<1x33x3267xf32> to vector<33x3267xf32>
    %swap3A_108 = vector.shape_cast %dot_general3A_9 : vector<33x3267xf32> to vector<1x33x3267xf32>
    tpu.vector_store %arg5[%swap3A, %swap3A_104, %swap3A_105], %swap3A_108 {strides = array<i32>} : memref<1x33x3267xf32, #tpu.memory_space<vmem>>, vector<1x33x3267xf32>,
    %swap3A_109 = arith.constant 0 : index
    %swap3A_110 = arith.constant 0 : index
    %swap3A_111 = arith.constant 0 : index
    %swap3A_112 = vector.load %arg6[%swap3A_109, %swap3A_110, %swap3A_111] : memref<1x33x3267xf32, #tpu.memory_space<vmem>>, vector<1x33x3267xf32>
    %swap3A_113 = vector.shape_cast %swap3A_112 : vector<1x33x3267xf32> to vector<33x3267xf32>
    %swap3A_114 = vector.shape_cast %add3A_103 : vector<33x3267xf32> to vector<1x33x3267xf32>
    tpu.vector_store %arg6[%swap3A_109, %swap3A_110, %swap3A_111], %swap3A_114 {strides = array<i32>} : memref<1x33x3267xf32, #tpu.memory_space<vmem>>, vector<1x33x3267xf32>,
    %swap3A_115 = arith.constant 0 : index
    %swap3A_116 = arith.constant 0 : index
    %swap3A_117 = arith.constant 0 : index
    %swap3A_118 = vector.load %arg7[%swap3A_115, %swap3A_116, %swap3A_117] : memref<1x33x3328xf32, #tpu.memory_space<vmem>>, vector<1x33x3267xf32>
    %swap3A_119 = vector.shape_cast %swap3A_118 : vector<1x33x3267xf32> to vector<33x3267xf32>
    %swap3A_120 = vector.shape_cast %add3A_103 : vector<33x3267xf32> to vector<1x33x3267xf32>
    tpu.vector_store %arg7[%swap3A_115, %swap3A_116, %swap3A_117], %swap3A_120 {strides = array<i32>} : memref<1x33x3328xf32, #tpu.memory_space<vmem>>, vector<1x33x3267xf32>,
    %abs3A = math.absf %dot_general3A_9 : vector<33x3267xf32>
    %reduce_sum3A = vector.shape_cast %abs3A : vector<33x3267xf32> to vector<1x33x3267xf32>
    %reduce_sum3A_121 = arith.constant dense<0.000000e+00> : vector<1xf32>
    %reduce_sum3A_122 = vector.multi_reduction <add>, %reduce_sum3A, %reduce_sum3A_121 [1, 2] : vector<1x33x3267xf32> to vector<1xf32>
    %reduce_sum3A_123 = vector.shape_cast %reduce_sum3A_122 : vector<1xf32> to vector<1x1x1xf32>
    %reduce_sum3A_124 = vector.extract %reduce_sum3A_123[0, 0, 0] : f32 from vector<1x1x1xf32>
    %swap3A_125 = arith.constant 0 : index
    %swap3A_126 = arith.constant 0 : index
    %swap3A_127 = arith.constant 0 : index
    %swap3A_128 = memref.load %arg8[%swap3A_125, %swap3A_126, %swap3A_127] : memref<1x1x1xf32, #tpu.memory_space<smem>>
    memref.store %reduce_sum3A_124, %arg8[%swap3A_125, %swap3A_126, %swap3A_127] : memref<1x1x1xf32, #tpu.memory_space<smem>>
    return
  }
  func.func @transform_0(%arg0: i32) -> (i32, i32, i32) {
    %c0_i32 = arith.constant 0 : i32
    %c0_i32_0 = arith.constant 0 : i32
    %c0_i32_1 = arith.constant 0 : i32
    return %arg0, %c0_i32, %c0_i32_0 : i32, i32, i32
  }
  func.func @transform_1(%arg0: i32) -> (i32, i32, i32) {
    %c0_i32 = arith.constant 0 : i32
    %c0_i32_0 = arith.constant 0 : i32
    %c0_i32_1 = arith.constant 0 : i32
    return %arg0, %c0_i32, %c0_i32_0 : i32, i32, i32
  }
  func.func @transform_2(%arg0: i32) -> (i32, i32, i32) {
    %c0_i32 = arith.constant 0 : i32
    %c0_i32_0 = arith.constant 0 : i32
    %c0_i32_1 = arith.constant 0 : i32
    return %arg0, %c0_i32, %c0_i32_0 : i32, i32, i32
  }
  func.func @transform_3(%arg0: i32) -> (i32, i32, i32) {
    %c0_i32 = arith.constant 0 : i32
    %c0_i32_0 = arith.constant 0 : i32
    %c0_i32_1 = arith.constant 0 : i32
    %c0_i32_2 = arith.constant 0 : i32
    return %c0_i32, %c0_i32_0, %c0_i32_1 : i32, i32, i32
  }
  func.func @transform_4(%arg0: i32) -> (i32, i32, i32) {
    %c0_i32 = arith.constant 0 : i32
    %c0_i32_0 = arith.constant 0 : i32
    %c0_i32_1 = arith.constant 0 : i32
    return %arg0, %c0_i32, %c0_i32_0 : i32, i32, i32
  }
  func.func @transform_5(%arg0: i32) -> (i32, i32, i32) {
    %c0_i32 = arith.constant 0 : i32
    %c0_i32_0 = arith.constant 0 : i32
    %c0_i32_1 = arith.constant 0 : i32
    return %arg0, %c0_i32, %c0_i32_0 : i32, i32, i32
  }
  func.func @transform_6(%arg0: i32) -> (i32, i32, i32) {
    %c0_i32 = arith.constant 0 : i32
    %c0_i32_0 = arith.constant 0 : i32
    %c0_i32_1 = arith.constant 0 : i32
    return %arg0, %c0_i32, %c0_i32_0 : i32, i32, i32
  }
  func.func @transform_7(%arg0: i32) -> (i32, i32, i32) {
    %c0_i32 = arith.constant 0 : i32
    %c0_i32_0 = arith.constant 0 : i32
    %c0_i32_1 = arith.constant 0 : i32
    return %arg0, %c0_i32, %c0_i32_0 : i32, i32, i32
  }
}

</mosaic_0001>

<sc_bundles>
// kernel: kernel.4.cloned.1.call-start
scs
__scs_entry_jumppad:
0x0: {  	(pc) =	sbr.rel $0x88, $3  }
0x1: {  	(tag) =	ssettag $0x0;
	lr =	simm.s32 $0x1  }
0x2: {  	[smem:$0x3F8C] =	sst lr;
	_ =	strace $0xD0000000  }
0x3: {  	_ = 	snop  }
0x4: {  	_ = 	snop  }
0x5: {  	_ = 	snop  }
0x6: {  	_ = 	snop  }
0x7: {  	_ = 	snop  }
__scs_overlays_trampoline_lowered:
0x8: {  	[smem:$0x3F9B] =	sst s0  }
0x9: {  	[smem:$0x3F9C] =	sst s1  }
0xa: {  	[smem:$0x3F9D] =	sst s2  }
0xb: {  	[smem:$0x3F9E] =	sst s3  }
0xc: {  	[smem:$0x3F9F] =	sst s4  }
0xd: {  	[smem:$0x3FA0] =	sst s5  }
0xe: {  	[smem:$0x3FA1] =	sst s6  }
0xf: {  	[smem:$0x3FA2] =	sst s7  }
0x10: {  	[smem:$0x3FA3] =	sst s8  }
0x11: {  	[smem:$0x3FA4] =	sst s9;
	s0 =	simm.s32 @!p0 $0x0  }
0x12: {  	s1 =	sld [smem:$0x3F8A];
	s0 =	simm.s32 @p0 $0x1  }
0x13: {  	[smem:$0x3FA5] =	sst s0;
	s0 =	simm.s32 @!p1 $0x0  }
0x14: {  	s2 =	sld [smem:$0x3F89];
	s0 =	simm.s32 @p1 $0x1  }
0x15: {  	[smem:$0x3FA6] =	sst s0;
	s0 =	simm.s32 @!p2 $0x0  }
0x16: {  	s3 =	sld [smem:$0x3FDB];
	s0 =	simm.s32 @p2 $0x1  }
0x17: {  	s4 =	simm.s32 $0x1BF5;
	[smem:$0x3FA8] =	sst s0  }
0x18: {  	s0 =	sld [smem:$0x3F8B];
	_ =	swait.ge [sflag:s4], $0x0  }
0x19: {  	s7 =	sld [smem:$0x3F8C]  }
0x1a: {  	s8 =	sadd.s32 $0xFFFFE003, lr  }
0x1b: {  	s9 =	sadd.s32 $0xFFFFFEF7, lr;
	s5 =	simm.s32 $0xFFFFFFFF;
	p2 =	slt.u32 s8, $0xFFFFF086  }
0x1c: {  	p1 =	slt.u32 s9, $0xF7A;
	s5 =	simm.s32 @!p2 $0x0  }
0x1d: {  	s5 =	simm.s32 @p1 $0x1;
	p0 =	seq.s32 s7, s2  }
0x1e: {  	s7 =	smul.u32 @!p0 $0xF7A, s2;
	p2 =	seq.s32 @!p0 s5, $0x0  }
0x1f: {  	s9 =	smul.u32 $0xF7A, s1;
	s8 =	simm.s32 @!p0 $0x1BF5;
	p2 =	por !p2, p0  }
0x20: {  	[sflag:s8] =	ssyncset.s32 @!p0 $0xFFFFF086;
	s6 =	sadd.s32 @!p0 s3, s7;
	s7 =	simm.s32 @!p0 $0x108  }
0x21: {  	s3 =	sadd.s32 s3, s9;
	s6 =	sadd.s32 @!p0 $0x88, s6;
	s7 =	simm.s32 @p2 $0x1082  }
0x22: {  	[simem:s7], [sflag:s8] =	dma.local @!p0 [hbm:s6], $0xF7A  }
0x23: {  	s9 =	sor.u32 $0xD0000000, s2;
	s6 =	simm.s32 $0x108;
	_ =	swait.ge @!p0 [sflag:s8], $0x0  }
0x24: {  	s3 =	sadd.s32 $0x88, s3;
	s6 =	simm.s32 @!p1 $0x1082;
	[sflag:s4] =	ssyncset.s32 $0xFFFFF086  }
0x25: {  	[simem:s6], [sflag:s4] =	dma.local [hbm:s3], $0xF7A  }
0x26: {  	[smem:$0x3F8C] =	sst s1;
	(tag) =	ssettag s2;
	_ =	strace s9  }
0x27: {  	s1 =	sld [smem:$0x3F9C]  }
0x28: {  	s2 =	sld [smem:$0x3F9D]  }
0x29: {  	s4 =	sld [smem:$0x3F9F]  }
0x2a: {  	p0 =	seq.s32 s5, $0x0;
	s5 =	sld [smem:$0x3FA0]  }
0x2b: {  	s6 =	sld [smem:$0x3FA1]  }
0x2c: {  	s7 =	sld [smem:$0x3FA2]  }
0x2d: {  	s3 =	simm.s32 $0x108;
	s8 =	sld [smem:$0x3FA3]  }
0x2e: {  	s3 =	simm.s32 @!p0 $0x1082;
	s9 =	sld [smem:$0x3FA4]  }
0x2f: {  	lr =	sadd.s32 s0, s3;
	s0 =	sld [smem:$0x3F9B]  }
0x30: {  	s3 =	sld [smem:$0x3F9E]  }
0x31: {  	[smem:$0x3FA7] =	sst s10  }
0x32: {  	s10 =	sld [smem:$0x3FA5];
	_ =	sdelay $0x3  }
0x33: {  	p0 =	seq.s32 s10, $0x1;
	s10 =	sld [smem:$0x3FA7];
	_ =	sdelay $0x3  }
0x34: {  	[smem:$0x3FA7] =	sst s10  }
0x35: {  	s10 =	sld [smem:$0x3FA6];
	_ =	sdelay $0x3  }
0x36: {  	p1 =	seq.s32 s10, $0x1;
	s10 =	sld [smem:$0x3FA7];
	_ =	sdelay $0x3  }
0x37: {  	[smem:$0x3FA7] =	sst s10  }
0x38: {  	s10 =	sld [smem:$0x3FA8]  }
0x39: {  	_ = 	snop;
	(pc) =	sbr.ind lr, $3  }
0x3a: {  	_ = 	snop  }
0x3b: {  	_ = 	snop  }
0x3c: {  	p2 =	seq.s32 s10, $0x1;
	s10 =	sld [smem:$0x3FA7]  }
0x3d: {  	_ =	shalt  }
0x3e: {  	_ =	shalt  }
0x3f: {  	_ =	shalt  }
0x40: {  	_ =	shalt  }
0x41: {  	_ =	shalt  }
0x42: {  	_ =	shalt  }
0x43: {  	_ =	shalt  }
0x44: {  	_ =	shalt  }
0x45: {  	_ =	shalt  }
0x46: {  	_ =	shalt  }
0x47: {  	_ =	shalt  }
0x48: {  	_ =	shalt  }
0x49: {  	_ =	shalt  }
0x4a: {  	_ =	shalt  }
0x4b: {  	_ =	shalt  }
0x4c: {  	_ =	shalt  }
0x4d: {  	_ =	shalt  }
0x4e: {  	_ =	shalt  }
0x4f: {  	_ =	shalt  }
0x50: {  	_ =	shalt  }
0x51: {  	_ =	shalt  }
0x52: {  	_ =	shalt  }
0x53: {  	_ =	shalt  }
0x54: {  	_ =	shalt  }
0x55: {  	_ =	shalt  }
0x56: {  	_ =	shalt  }
0x57: {  	_ =	shalt  }
0x58: {  	_ =	shalt  }
0x59: {  	_ =	shalt  }
0x5a: {  	_ =	shalt  }
0x5b: {  	_ =	shalt  }
0x5c: {  	_ =	shalt  }
0x5d: {  	_ =	shalt  }
0x5e: {  	_ =	shalt  }
0x5f: {  	_ =	shalt  }
0x60: {  	_ =	shalt  }
0x61: {  	_ =	shalt  }
0x62: {  	_ =	shalt  }
0x63: {  	_ =	shalt  }
0x64: {  	_ =	shalt  }
0x65: {  	_ =	shalt  }
0x66: {  	_ =	shalt  }
0x67: {  	_ =	shalt  }
0x68: {  	_ =	shalt  }
0x69: {  	_ =	shalt  }
0x6a: {  	_ =	shalt  }
0x6b: {  	_ =	shalt  }
0x6c: {  	_ =	shalt  }
0x6d: {  	_ =	shalt  }
0x6e: {  	_ =	shalt  }
0x6f: {  	_ =	shalt  }
0x70: {  	_ =	shalt  }
0x71: {  	_ =	shalt  }
0x72: {  	_ =	shalt  }
0x73: {  	_ =	shalt  }
0x74: {  	_ =	shalt  }
0x75: {  	_ =	shalt  }
0x76: {  	_ =	shalt  }
0x77: {  	_ =	shalt  }
0x78: {  	_ =	shalt  }
0x79: {  	_ =	shalt  }
0x7a: {  	_ =	shalt  }
0x7b: {  	_ =	shalt  }
0x7c: {  	_ =	shalt  }
0x7d: {  	_ =	shalt  }
0x7e: {  	_ =	shalt  }
0x7f: {  	_ =	shalt  }
0x80: {  	_ =	shalt  }
0x81: {  	_ =	shalt  }
0x82: {  	_ =	shalt  }
0x83: {  	_ =	shalt  }
0x84: {  	_ =	shalt  }
0x85: {  	_ =	shalt  }
0x86: {  	_ =	shalt  }
0x87: {  	_ =	shalt  }
.Lfunc_end0:
.L_simem_size_0:
called_computation_lowered:
.L_overlay_start_0:
0x88: {  	s2 =	sld [smem:$0x3FD9]  }
0x89: {  	s3 =	sld [smem:$0x3FFE];
	_ =	sdelay $0x1  }
0x8a: {  	s1 =	srdreg.scid  }
0x8b: {  	s0 =	sand.u32 $0x1, s1  }
0x8c: {  	s14 =	sshll.u32 s0, $0xA;
	s2 =	sadd.s32 s3, s2  }
0x8d: {  	s2 =	sadd.s32 s2, s14  }
0x8e: {  	[smem:$0x3FB3] =	sst s2  }
0x8f: {  	_ = 	snop  }
0x90: {  	s2 =	sld [smem:$0x3FD0];
	_ =	sdelay $0x2  }
0x91: {  	s4 =	simm.s32 $0xA;
	s5 =	simm.s32 $0x10;
	s15 =	sld [smem:$0x3FC8]  }
0x92: {  	[smem:s5], [sflag:s4] =	dma.local [hbm:s2], $0x1  }
0x93: {  	_ =	swait.eq [sflag:s4], $0x1  }
0x94: {  	[sflag:s4] =	ssyncset.done $0x0  }
0x95: {  	[sflag:s4] =	ssyncadd.s32 $0xFFFFFFFF  }
0x96: {  	s16 =	sld [smem:$0x10];
	(tm) =	ssettm $0x1  }
0x97: {  	s17 =	sld [smem:$0x3FFB];
	_ =	sdelay $0x3  }
0x98: {  	_ =	strace s17  }
0x99: {  	s4 =	sld [smem:$0x3FFC];
	_ =	sdelay $0x3  }
0x9a: {  	_ =	strace s4  }
0x9b: {  	s4 =	sld [smem:$0x3FFD];
	_ =	sdelay $0x3  }
0x9c: {  	_ =	strace s4  }
0x9d: {  	_ =	strace $0x8FFFFFFF  }
0x9e: {  	s18 =	sld [smem:$0x3FDB];
	_ =	sdelay $0x1  }
0x9f: {  	s19 =	simm.s32 $_scs_section_size  }
0xa0: {  	s6 =	simm.s32 $_size__tile_overlayer_lowered;
	s7 =	simm.s32 $_tile_overlayer_lowered  }
0xa1: {  	s22 =	simm.s32 $0x1BFF;
	s21 =	sshll.u32 s7, $0x1;
	s4 =	sadd.s32 s19, s18  }
0xa2: {  	s8 =	simm.s32 $0x0;
	s20 =	sshll.u32 s6, $0x1;
	s6 =	sadd.s32 s21, s4  }
0xa3: {  	[timem:s8], [sflag:s22] =	dma.local [hbm:s6], s20  }
0xa4: {  	_ =	swait.ge [sflag:s22], s20  }
0xa5: {  	s5 =	ssub.s32 $0x0, s20;
	[sflag:s22] =	ssyncset.done $0x0  }
0xa6: {  	[sflag:s22] =	ssyncadd.s32 s5;
	_ =	sdelay $0x1  }
0xa7: {  	s23 =	simm.s32 $0x1B8B  }
0xa8: {  	_ =	swait.ge [sflag:s23], $0x1  }
0xa9: {  	[sflag:s23] =	ssyncset.done $0x0  }
0xaa: {  	s25 =	simm.s32 $0x1B8E;
	s24 =	sld [smem:$0x3FFE];
	[sflag:s23] =	ssyncadd.s32 $0xFFFFFFFF  }
0xab: {  	s26 =	simm.s32 $execute0_lowered;
	[smem:$0x3FD2] =	sst s25  }
0xac: {  	s6 =	sshll.u32 s26, $0x1;
	_ =	strace $0x80000046;
	[dreg:$0x1] =	wrdreg $0xFFFFFFFF  }
0xad: {  	s28 =	simm.s32 $_size_execute0_lowered;
	s4 =	sadd.s32 s4, s6;
	[dreg:$0x0] =	wrdreg $0x0  }
0xae: {  	s6 =	sshll.u32 s28, $0x1;
	[dreg:$0x2] =	wrdreg s4  }
0xaf: {  	[dreg:$0x3] =	wrdreg s6  }
0xb0: {  	[dreg:$0x4] =	wrdreg $0xC0  }
0xb1: {  	_ =	task [dreg:s8], $0x5FFFF  }
0xb2: {  	[dreg:$0x1] =	wrdreg $0xFFFFFFFF  }
0xb3: {  	[dreg:$0x0] =	wrdreg $0x60  }
0xb4: {  	[dreg:$0x2] =	wrdreg s24  }
0xb5: {  	[dreg:$0x3] =	wrdreg s15  }
0xb6: {  	[dreg:$0x4] =	wrdreg s16  }
0xb7: {  	[dreg:$0x5] =	wrdreg $0x9  }
0xb8: {  	_ =	task.clear_ibuf [dreg:s8], $0x6FFFF;
	_ =	strace $0x90000046  }
0xb9: {  	s29 =	simm.s32 $0x9;
	_ =	strace $0x80000048  }
0xba: {  	_ =	swait.ge [sflag:s29], $0x1  }
0xbb: {  	[sflag:s29] =	ssyncadd.s32 $0xFFFFFFFF  }
0xbc: {  	_ =	strace $0x90000048  }
0xbd: {  	_ =	sfence  }
0xbe: {  	s30 =	sld [smem:$0x0];
	_ =	sdelay $0x2  }
0xbf: {  	s31 =	sshll.u32 s1, $0xD;
	s1 =	sshrl.u32 s1, $0x2  }
0xc0: {  	s3 =	sand.u32 $0x4000, s31;
	s1 =	sadd.s32 s1, s30  }
0xc1: {  	s0 =	sor.u32 s3, s0;
	s1 =	sshll.u32 s1, $0x11  }
0xc2: {  	s0 =	sor.u32 s1, s0  }
0xc3: {  	s0 =	sadd.s32 $0x8F2B, s0  }
0xc4: {  	[sflag:s0] =	ssyncadd.remote.s32 $0x1  }
0xc5: {  	_ =	sfence.sel $0xFFFF  }
0xc6: {  	[dreg:$0x0] =	wrdreg $0xFFFFFFFF;
	(pc) =	sbr.abs _section_cstart, $3  }
0xc7: {  	[dreg:$0x1] =	wrdreg $0xFFFFFFFF  }
0xc8: {  	_ =	task.clear_ibuf [dreg:s8], $0x2FFFF;
	_ =	strace $0x9FFFFFFF  }
0xc9: {  	(tm) =	ssettm $0x7FFFFFFF  }
tec
execute0_lowered:
.L_overlay_start_1:
0x0: {  	(tag) =	ssettag $0x1  }
0x1: {  	s1 =	srdreg.scid  }
0x2: {  	s0 =	stileid.u32;
	s6 =	sand.u32 $0x1, s1  }
0x3: {  	s7 =	rddreg [dreg:$0x0];
	s1 =	sor.u32 s6, s0  }
0x4: {  	s2 =	rddreg [dreg:$0x1];
	p1 =	seq.s32 s6, $0x1;
	p0 =	seq.s32 s1, $0x0  }
0x5: {  	s3 =	rddreg [dreg:$0x2];
	p0 =	por !p0, !p1  }
0x6: {  	s4 =	simm.s32 $0x0;
	s1 =	simm.s32 $0x1;
	p0 =	por !p0, !p0  }
0x7: {  	s12 =	simm.s32 $0x40000;
	s13 =	simm.s32 $0x1AD00;
	s1 =	simm.s32 @!p0 $0x0  }
0x8: {  	s14 =	simm.s32 $0x0;
	[smem:$0x7FF] =	sst s4;
	s8 =	ssub.s32 s0, s1  }
0x9: {  	s29 =	ssub.s32 $0x2, s6;
	s31 =	sshll.u32 s6, $0x11;
	s5 =	sshrl.u32 s8, $0x3  }
0xa: {  	s11 =	sshrl.u32 s29, $0x1;
	s28 =	sshll.u32 s8, $0x7;
	s9 =	smul.u32 $0xD6800, s5  }
0xb: {  	s30 =	ssub.s32 s29, s11;
	s11 =	simm.s32 $0x1000;
	s10 =	sand.u32 $0x380, s28  }
0xc: {  	s1 =	rddreg [dreg:$0x3];
	_ =	strace $0x80000047;
	s9 =	sor.u32 s10, s9  }
0xd: {  	s8 =	smul.u32 $0xC0000, s8;
	s5 =	simm.s32 $0x1;
	s9 =	sshrl.u32 s9, $0x3  }
0xe: {  	s10 =	simm.s32 $0x400;
	s7 =	sadd.s32 s9, s7;
	s9 =	simm.s32 $0x80  }
0xf: {  	s6 =	sadd.s32 $0x4800, s7;
	s7 =	sor.u32 s8, s31;
	s8 =	smax.u32 s30, $0x1  }
.LBB2_1:
0x10: {  	[tilespmem:s4], [sflag:$0x1] =	stream.strided.gather [hbm4b:s6+s9], $0x1AD00, s10, s9, $0x38;
	[tilespmem:$0x1DD00] =	vst v63  }
0x11: {  	_ =	swait.ge [sflag:s5], $0x1AD00  }
0x12: {  	[sflag:s5] =	ssyncset.done $0x0  }
0x13: {  	s15 =	simm.s32 $0x0;
	[sflag:s5] =	ssyncadd.s32 $0xFFFE5300  }
.LBB2_2:
0x14: {  	s16 =	sshll.u32 s15, $0xC  }
0x15: {  	s16 =	sadd.s32 s7, s16  }
0x16: {  	s16 =	sshrl.u32 s16, $0x3  }
0x17: {  	s18 =	simm.s32 $0x0;
	s17 =	sadd.s32 s2, s16  }
0x18: {  	[tilespmem:s13], [sflag:$0x1] =	stream.strided.gather [hbm4b:s17+s11], $0x3000, s12, s11, $0x38;
	[tilespmem:$0x1DD00] =	vst v63  }
0x19: {  	s31 =	sand.u32 $0xC00, s18;
	s19 =	sand.u32 $0x380, s18;
	_ =	swait.ge [sflag:s5], $0x3000  }
0x1a: {  	s20 =	sand.u32 $0x70, s18;
	s17 =	sor.u32 s19, s31;
	[sflag:s5] =	ssyncset.done $0x0  }
0x1b: {  	s17 =	sor.u32 s20, s17;
	[sflag:s5] =	ssyncadd.s32 $0xFFFFD000  }
0x1c: {  	v0 =	vld [tilespmem:s17+$0x1AD00]  }
0x1d: {  	v1 =	vld [tilespmem:s17+$0x1BD00]  }
0x1e: {  	v2 =	vld [tilespmem:s17+$0x1CD00];
	_ =	sdelay $0x2  }
0x1f: {  	v0 =	vmul.f32 $3.200000000e+01, v0  }
0x20: {  	v1 =	vmul.f32 $3.200000000e+01, v1  }
0x21: {  	v2 =	vmul.f32 $3.200000000e+01, v2;
	v0 =	vmax.f32 v0, $0.0e+00  }
0x22: {  	v4 =	vmin.f32 v0, $3.199999810e+01;
	v0 =	vmax.f32 v1, $0.0e+00  }
0x23: {  	v1 =	vtrunc.f32 v4;
	v7 =	vmin.f32 v0, $3.199999810e+01;
	v0 =	vmax.f32 v2, $0.0e+00  }
0x24: {  	v1 =	vcvt.f32.s32 v1;
	v2 =	vtrunc.f32 v7;
	v0 =	vmin.f32 v0, $3.199999810e+01  }
0x25: {  	v9 =	vcvt.f32.s32 v2;
	v2 =	vtrunc.f32 v0  }
0x26: {  	v3 =	vmul.u32 $0xD00, v1;
	v11 =	vcvt.f32.s32 v2  }
0x27: {  	v2 =	vmul.u32 $0x63, v9  }
0x28: {  	v5 =	vadd.s32 $0xD00, v3;
	v12 =	vmul.u32 $0x3, v11  }
0x29: {  	vm0 =	vlt.s32 v5, $0x1A000;
	v6 =	vadd.s32 $0x63, v2;
	v8 =	vadd.s32 v3, v2  }
0x2a: {  	v5 =	vnsel vm0, $0x1A000, v5;
	vm14 =	vlt.s32 v6, $0xC60;
	v10 =	vadd.s32 v12, v8  }
0x2b: {  	v2 =	vadd.s32 v2, v5;
	v6 =	vnsel vm14, $0xC60, v6;
	v16 =	vadd.s32 $0x1, v10  }
0x2c: {  	v14 =	vadd.s32 $0x3, v12;
	v13 =	vadd.s32 v12, v2;
	v3 =	vadd.s32 v3, v6  }
0x2d: {  	vm15 =	vlt.s32 v14, $0x60;
	v18 =	vadd.s32 v12, v3  }
0x2e: {  	v14 =	vnsel vm15, $0x60, v14;
	v5 =	vadd.s32 v5, v6;
	v15 =	vadd.s32 $0x1, v13  }
0x2f: {  	v19 =	vadd.s32 v2, v14;
	v20 =	vadd.s32 v14, v5;
	v21 =	vld.idx.msk [tilespmem:v10+s4+$0x0], $0xffff  }
0x30: {  	v23 =	vadd.s32 v14, v3;
	v14 =	vadd.s32 v8, v14;
	v8 =	vadd.s32 $0x2, v10;
	v25 =	vld.idx.msk [tilespmem:v16+s4+$0x0], $0xffff  }
0x31: {  	v22 =	vld.idx.msk [tilespmem:v13+s4+$0x0], $0xffff  }
0x32: {  	v6 =	vadd.s32 $0x1, v19;
	v2 =	vld.idx.msk [tilespmem:v18+s4+$0x0], $0xffff  }
0x33: {  	v17 =	vadd.s32 $0x2, v20;
	v24 =	vld.idx.msk [tilespmem:v15+s4+$0x0], $0xffff  }
0x34: {  	v10 =	vld.idx.msk [tilespmem:v19+s4+$0x0], $0xffff  }
0x35: {  	v15 =	vadd.s32 $0x2, v23;
	v8 =	vld.idx.msk [tilespmem:v8+s4+$0x0], $0xffff  }
0x36: {  	v3 =	vadd.s32 $0x2, v14;
	v16 =	vadd.s32 $0x1, v20;
	v20 =	vld.idx.msk [tilespmem:v20+s4+$0x0], $0xffff  }
0x37: {  	v26 =	vld.idx.msk [tilespmem:v6+s4+$0x0], $0xffff  }
0x38: {  	v27 =	vld.idx.msk [tilespmem:v17+s4+$0x0], $0xffff  }
0x39: {  	v28 =	vadd.s32 $0x1, v14;
	v6 =	vld.idx.msk [tilespmem:v23+s4+$0x0], $0xffff  }
0x3a: {  	v13 =	vadd.s32 $0x2, v13;
	v29 =	vld.idx.msk [tilespmem:v15+s4+$0x0], $0xffff  }
0x3b: {  	v3 =	vld.idx.msk [tilespmem:v3+s4+$0x0], $0xffff;
	v23 =	vadd.s32 $0x1, v23  }
0x3c: {  	v1 =	vcvt.s32.f32 v1;
	v17 =	vld.idx.msk [tilespmem:v16+s4+$0x0], $0xffff;
	v16 =	vadd.s32 v12, v5  }
0x3d: {  	v63 =	vadd.s32 $0x1, v18;
	v12 =	vld.idx.msk [tilespmem:v14+s4+$0x0], $0xffff  }
0x3e: {  	v5 =	vsub.f32 v4, v1;
	v31 =	vadd.s32 $0x1, v16;
	v15 =	vld.idx.msk [tilespmem:v28+s4+$0x0], $0xffff  }
0x3f: {  	v30 =	vld.idx.msk [tilespmem:v13+s4+$0x0], $0xffff;
	v32 =	vadd.s32 $0x2, v16;
	v4 =	vsub.f32 v22, v21;
	v14 =	vsub.f32 v27, v29  }
0x40: {  	v33 =	vadd.s32 $0x2, v19;
	v1 =	vcvt.s32.f32 v11;
	v11 =	vsub.f32 v24, v25;
	v13 =	vld.idx.msk [tilespmem:v23+s4+$0x0], $0xffff  }
0x41: {  	v4 =	vmul.f32 v5, v4;
	v22 =	vld.idx.msk [tilespmem:v16+s4+$0x0], $0xffff;
	v23 =	vmul.f32 v14, v5;
	v14 =	vadd.s32 $0x2, v18  }
0x42: {  	v9 =	vcvt.s32.f32 v9;
	v24 =	vmul.f32 v11, v5;
	v16 =	vld.idx.msk [tilespmem:v63+s4+$0x0], $0xffff  }
0x43: {  	v4 =	vadd.f32 v4, v21;
	v19 =	vld.idx.msk [tilespmem:v31+s4+$0x0], $0xffff;
	v21 =	vsub.f32 v26, v15  }
0x44: {  	v7 =	vsub.f32 v7, v9;
	v9 =	vadd.f32 v24, v25;
	v18 =	vld.idx.msk [tilespmem:v32+s4+$0x0], $0xffff  }
0x45: {  	s19 =	simm.s32 $0x4;
	s20 =	simm.s32 $0x0;
	v24 =	vsub.f32 v30, v8;
	v11 =	vadd.f32 v23, v29;
	v23 =	vmul.f32 v21, v5;
	v21 =	vld.idx.msk [tilespmem:v33+s4+$0x0], $0xffff  }
.LBB2_3:
0x46: {  	p0 =	sne.s32 s19, $0x3FC;
	v10 =	vsub.f32 v10, v12;
	v17 =	vsub.f32 v17, v13;
	v14 =	vld.idx.msk [tilespmem:v14+s4+$0x0], $0xffff;
	s18 =	sadd.s32 $0x80, s18;
	s20 =	sadd.s32 $0x10, s20  }
0x47: {  	v22 =	vsub.f32 v22, v2;
	v20 =	vsub.f32 v20, v6;
	s21 =	smov.u32 s19;
	s19 =	sadd.s32 $0x4, s19;
	v24 =	vmul.f32 v24, v5  }
0x48: {  	v15 =	vadd.f32 v23, v15;
	v10 =	vmul.f32 v10, v5;
	v17 =	vmul.f32 v17, v5  }
0x49: {  	v20 =	vmul.f32 v20, v5;
	v19 =	vsub.f32 v19, v16;
	v8 =	vadd.f32 v24, v8  }
0x4a: {  	v22 =	vmul.f32 v22, v5;
	v10 =	vadd.f32 v10, v12;
	v12 =	vadd.f32 v17, v13  }
0x4b: {  	v6 =	vadd.f32 v20, v6;
	v13 =	vmul.f32 v19, v5;
	v17 =	vsub.f32 v21, v3  }
0x4c: {  	v18 =	vsub.f32 v18, v14;
	v12 =	vsub.f32 v12, v15  }
0x4d: {  	v6 =	vsub.f32 v6, v10;
	v13 =	vadd.f32 v13, v16;
	v16 =	vmul.f32 v17, v5  }
0x4e: {  	v2 =	vadd.f32 v22, v2;
	v5 =	vmul.f32 v18, v5;
	v12 =	vmul.f32 v12, v7  }
0x4f: {  	v6 =	vmul.f32 v6, v7;
	v13 =	vsub.f32 v13, v9;
	v3 =	vadd.f32 v16, v3  }
0x50: {  	v2 =	vsub.f32 v2, v4;
	v5 =	vadd.f32 v5, v14  }
0x51: {  	v6 =	vadd.f32 v6, v10;
	v10 =	vmul.f32 v13, v7;
	v11 =	vsub.f32 v11, v3  }
0x52: {  	v2 =	vmul.f32 v2, v7;
	v12 =	vadd.f32 v12, v15;
	v5 =	vsub.f32 v5, v8  }
0x53: {  	v9 =	vadd.f32 v10, v9;
	v10 =	vmul.f32 v11, v7  }
0x54: {  	v0 =	vsub.f32 v0, v1;
	v1 =	vadd.f32 v2, v4;
	v2 =	vmul.f32 v5, v7  }
0x55: {  	v4 =	vsub.f32 v12, v9;
	v3 =	vadd.f32 v10, v3  }
0x56: {  	v5 =	vsub.f32 v6, v1;
	v2 =	vadd.f32 v2, v8  }
0x57: {  	v4 =	vmul.f32 v4, v0  }
0x58: {  	v5 =	vmul.f32 v5, v0;
	v3 =	vsub.f32 v3, v2  }
0x59: {  	s22 =	sand.u32 $0xC00, s18;
	s21 =	sand.u32 $0x380, s21;
	v4 =	vadd.f32 v4, v9  }
0x5a: {  	s23 =	sand.u32 $0x70, s20;
	s21 =	sor.u32 s21, s22;
	v1 =	vadd.f32 v5, v1;
	v0 =	vmul.f32 v3, v0  }
0x5b: {  	s21 =	sor.u32 s23, s21;
	[tilespmem:s17+$0x1BD00] =	vst v4  }
0x5c: {  	v0 =	vadd.f32 v0, v2;
	[tilespmem:s17+$0x1AD00] =	vst v1  }
0x5d: {  	v1 =	vld [tilespmem:s21+$0x1AD00]  }
0x5e: {  	[tilespmem:s17+$0x1CD00] =	vst v0;
	s17 =	smov.u32 s21  }
0x5f: {  	v0 =	vld [tilespmem:s17+$0x1CD00]  }
0x60: {  	v2 =	vld [tilespmem:s17+$0x1BD00];
	_ =	sdelay $0x1  }
0x61: {  	v1 =	vmul.f32 $3.200000000e+01, v1;
	_ =	sdelay $0x1  }
0x62: {  	v1 =	vmax.f32 v1, $0.0e+00;
	v0 =	vmul.f32 $3.200000000e+01, v0  }
0x63: {  	v3 =	vmin.f32 v1, $3.199999810e+01;
	v1 =	vmul.f32 $3.200000000e+01, v2  }
0x64: {  	v0 =	vmax.f32 v0, $0.0e+00;
	v2 =	vtrunc.f32 v3  }
0x65: {  	v1 =	vmax.f32 v1, $0.0e+00;
	v0 =	vmin.f32 v0, $3.199999810e+01;
	v2 =	vcvt.f32.s32 v2  }
0x66: {  	v7 =	vmin.f32 v1, $3.199999810e+01;
	v1 =	vtrunc.f32 v0  }
0x67: {  	v4 =	vtrunc.f32 v7;
	v5 =	vcvt.f32.s32 v1  }
0x68: {  	v8 =	vcvt.s32.f32 v2;
	v2 =	vmul.u32 $0xD00, v2;
	v4 =	vcvt.f32.s32 v4  }
0x69: {  	v1 =	vcvt.s32.f32 v5;
	v5 =	vmul.u32 $0x3, v5  }
0x6a: {  	v6 =	vadd.s32 $0xD00, v2;
	v9 =	vcvt.s32.f32 v4;
	v4 =	vmul.u32 $0x63, v4  }
0x6b: {  	vm0 =	vlt.s32 v6, $0x1A000;
	v10 =	vadd.s32 $0x3, v5  }
0x6c: {  	v6 =	vnsel vm0, $0x1A000, v6;
	v11 =	vadd.s32 $0x63, v4;
	vm0 =	vlt.s32 v10, $0x60  }
0x6d: {  	v12 =	vadd.s32 v2, v4;
	v4 =	vadd.s32 v4, v6;
	vm1 =	vlt.s32 v11, $0xC60  }
0x6e: {  	v13 =	vadd.s32 v5, v12;
	v15 =	vadd.s32 v5, v4;
	v11 =	vnsel vm1, $0xC60, v11  }
0x6f: {  	v10 =	vnsel vm0, $0x60, v10;
	v16 =	vadd.s32 $0x1, v15;
	v2 =	vadd.s32 v2, v11  }
0x70: {  	v6 =	vadd.s32 v6, v11;
	v11 =	vadd.s32 v5, v2  }
0x71: {  	v4 =	vadd.s32 v4, v10;
	v17 =	vadd.s32 v10, v2;
	v18 =	vadd.s32 v10, v6  }
0x72: {  	v19 =	vadd.s32 $0x1, v13;
	v20 =	vadd.s32 $0x1, v4;
	v21 =	vadd.s32 $0x1, v17  }
0x73: {  	v12 =	vadd.s32 v12, v10;
	v24 =	vadd.s32 $0x2, v4;
	v23 =	vadd.s32 $0x2, v17;
	v22 =	vld.idx.msk [tilespmem:v13+s4+$0x0], $0xffff  }
0x74: {  	v26 =	vadd.s32 $0x1, v18;
	v14 =	vadd.s32 $0x2, v11;
	v27 =	vadd.s32 $0x2, v18;
	v25 =	vld.idx.msk [tilespmem:v15+s4+$0x0], $0xffff  }
0x75: {  	v28 =	vadd.s32 v5, v6;
	v13 =	vadd.s32 $0x2, v13;
	v15 =	vadd.s32 $0x2, v15;
	v2 =	vld.idx.msk [tilespmem:v11+s4+$0x0], $0xffff  }
0x76: {  	v29 =	vadd.s32 $0x1, v28;
	v30 =	vadd.s32 $0x2, v28;
	v11 =	vadd.s32 $0x1, v11;
	v16 =	vld.idx.msk [tilespmem:v16+s4+$0x0], $0xffff  }
0x77: {  	v31 =	vld.idx.msk [tilespmem:v19+s4+$0x0], $0xffff;
	v19 =	vadd.s32 $0x2, v12  }
0x78: {  	v10 =	vld.idx.msk [tilespmem:v4+s4+$0x0], $0xffff  }
0x79: {  	v32 =	vld.idx.msk [tilespmem:v20+s4+$0x0], $0xffff  }
0x7a: {  	v4 =	vsub.f32 v25, v22;
	v25 =	vld.idx.msk [tilespmem:v27+s4+$0x0], $0xffff  }
0x7b: {  	v6 =	vld.idx.msk [tilespmem:v17+s4+$0x0], $0xffff  }
0x7c: {  	v5 =	vsub.f32 v3, v8;
	v20 =	vadd.s32 $0x1, v12;
	v3 =	vld.idx.msk [tilespmem:v19+s4+$0x0], $0xffff  }
0x7d: {  	v16 =	vsub.f32 v16, v31;
	v8 =	vld.idx.msk [tilespmem:v13+s4+$0x0], $0xffff  }
0x7e: {  	v4 =	vmul.f32 v5, v4;
	v23 =	vld.idx.msk [tilespmem:v23+s4+$0x0], $0xffff  }
0x7f: {  	v17 =	vld.idx.msk [tilespmem:v26+s4+$0x0], $0xffff;
	v26 =	vmul.f32 v16, v5  }
0x80: {  	v4 =	vadd.f32 v4, v22;
	v27 =	vld.idx.msk [tilespmem:v15+s4+$0x0], $0xffff  }
0x81: {  	v15 =	vld.idx.msk [tilespmem:v20+s4+$0x0], $0xffff  }
0x82: {  	v12 =	vld.idx.msk [tilespmem:v12+s4+$0x0], $0xffff  }
0x83: {  	v13 =	vld.idx.msk [tilespmem:v21+s4+$0x0], $0xffff  }
0x84: {  	v16 =	vsub.f32 v25, v23;
	v20 =	vld.idx.msk [tilespmem:v18+s4+$0x0], $0xffff  }
.Ltmp0:
0x85: {  	v22 =	vld.idx.msk [tilespmem:v28+s4+$0x0], $0xffff;
	(pc) =	sbr.rel @p0 .LBB2_3-.Ltmp0, $4  }
0x86: {  	v21 =	vmul.f32 v16, v5;
	v19 =	vld.idx.msk [tilespmem:v29+s4+$0x0], $0xffff  }
0x87: {  	v25 =	vsub.f32 v32, v15;
	v16 =	vld.idx.msk [tilespmem:v11+s4+$0x0], $0xffff  }
0x88: {  	v7 =	vsub.f32 v7, v9;
	v11 =	vadd.f32 v21, v23;
	v18 =	vld.idx.msk [tilespmem:v30+s4+$0x0], $0xffff  }
0x89: {  	v9 =	vadd.f32 v26, v31;
	v23 =	vmul.f32 v25, v5;
	v21 =	vld.idx.msk [tilespmem:v24+s4+$0x0], $0xffff;
	v24 =	vsub.f32 v27, v8  }
0x8a: {  	_ =	sdelay $0x1  }
0x8b: {  	v10 =	vsub.f32 v10, v12  }
0x8c: {  	v17 =	vsub.f32 v17, v13;
	v22 =	vsub.f32 v22, v2  }
0x8d: {  	v14 =	vld.idx.msk [tilespmem:v14+s4+$0x0], $0xffff;
	v20 =	vsub.f32 v20, v6;
	v0 =	vsub.f32 v0, v1  }
0x8e: {  	v24 =	vmul.f32 v24, v5;
	v15 =	vadd.f32 v23, v15;
	v10 =	vmul.f32 v10, v5  }
0x8f: {  	v17 =	vmul.f32 v17, v5;
	v20 =	vmul.f32 v20, v5;
	v19 =	vsub.f32 v19, v16  }
0x90: {  	v8 =	vadd.f32 v24, v8;
	v10 =	vadd.f32 v10, v12  }
0x91: {  	v53 =	vmul.f32 v22, v5;
	v49 =	vadd.f32 v17, v13;
	v50 =	vadd.f32 v20, v6  }
0x92: {  	v51 =	vmul.f32 v19, v5;
	v52 =	vsub.f32 v21, v3;
	v18 =	vsub.f32 v18, v14  }
0x93: {  	v56 =	vadd.f32 v53, v2;
	v6 =	vsub.f32 v50, v10  }
0x94: {  	v13 =	vadd.f32 v51, v16;
	v54 =	vmul.f32 v52, v5;
	v55 =	vmul.f32 v18, v5  }
0x95: {  	v12 =	vsub.f32 v49, v15;
	v2 =	vsub.f32 v56, v4  }
0x96: {  	v57 =	vadd.f32 v54, v3;
	v5 =	vadd.f32 v55, v14  }
0x97: {  	v6 =	vmul.f32 v6, v7;
	v13 =	vsub.f32 v13, v9;
	v2 =	vmul.f32 v2, v7  }
0x98: {  	v12 =	vmul.f32 v12, v7;
	v11 =	vsub.f32 v11, v57;
	v5 =	vsub.f32 v5, v8  }
0x99: {  	v6 =	vadd.f32 v6, v10;
	v58 =	vmul.f32 v13, v7;
	v2 =	vadd.f32 v2, v4  }
0x9a: {  	v12 =	vadd.f32 v12, v15;
	v60 =	vmul.f32 v11, v7;
	v61 =	vmul.f32 v5, v7  }
0x9b: {  	v59 =	vadd.f32 v58, v9;
	v63 =	vsub.f32 v6, v2  }
0x9c: {  	v3 =	vadd.f32 v60, v57;
	v1 =	vadd.f32 v61, v8  }
0x9d: {  	v62 =	vsub.f32 v12, v59  }
0x9e: {  	v5 =	vmul.f32 v63, v0;
	v3 =	vsub.f32 v3, v1  }
0x9f: {  	v4 =	vmul.f32 v62, v0  }
0xa0: {  	v2 =	vadd.f32 v5, v2;
	v0 =	vmul.f32 v3, v0  }
0xa1: {  	v4 =	vadd.f32 v4, v59  }
0xa2: {  	s15 =	sadd.s32 $0x1, s15;
	[tilespmem:s17+$0x1AD00] =	vst v2;
	v0 =	vadd.f32 v0, v1  }
0xa3: {  	p0 =	sne.s32 s15, $0x20;
	[tilespmem:s17+$0x1BD00] =	vst v4  }
.Ltmp1:
0xa4: {  	s16 =	sadd.s32 s3, s16;
	[tilespmem:s17+$0x1CD00] =	vst v0;
	(pc) =	sbr.rel @p0 .LBB2_2-.Ltmp1, $4  }
0xa5: {  	[hbm4b:s16+s11] =	stream.strided.scatter [tilespmem:s13], [sflag:$0x1], $0x3000, s12, s11, $0x38;
	[tilespmem:$0x1DD00] =	vst v63  }
0xa6: {  	_ =	swait.ge [sflag:s5], $0x3000  }
0xa7: {  	[sflag:s5] =	ssyncset.done $0x0  }
0xa8: {  	[sflag:s5] =	ssyncadd.s32 $0xFFFFD000  }
0xa9: {  	s14 =	sadd.s32 $0x1, s14  }
0xaa: {  	p0 =	sne.s32 s14, s8  }
.Ltmp2:
0xab: {  	_ = 	snop;
	(pc) =	sbr.rel @p0 .LBB2_1-.Ltmp2, $1  }
0xac: {  	_ =	sdelay $0x3  }
0xad: {  	_ =	sfence.sel $0x180000  }
0xae: {  	[bflag:$0x0] =	sbarrier.arrive $0xFFFF  }
0xaf: {  	p0 =	sne.s32 s0, $0x0;
	_ =	strace $0x90000047  }
0xb0: {  	s0 =	sadd.s32 @!p0 $0x100000, s1;
	[bflag:$0x2] =	sbarrier.arrive $0xFFFF  }
0xb1: {  	[sflag:s0] =	ssyncadd.tile.s32 @!p0 $0x1;
	_ =	shalt  }
.Lfunc_end2:
_tile_overlayer_lowered:
.L_overlay_start_2:
0xb2: {  	(tag) =	ssettag $0x2  }
0xb3: {  	s0 =	rddreg [dreg:$0x0];
	s2 =	stileid.u32  }
0xb4: {  	s1 =	rddreg [dreg:$0x1];
	p0 =	sne.s32 s2, $0x0  }
0xb5: {  	s3 =	rddreg [dreg:$0x2];
	[bflag:$0x3] =	sbarrier.arrive $0xFFFF;
	s2 =	simm.s32 @!p0 $0x1C01  }
0xb6: {  	[timem:s3], [sflag:s2] =	dma.local @!p0 [hbm:s0], s1  }
0xb7: {  	s0 =	simm.s32 @!p0 $0x1  }
0xb8: {  	_ =	swait.ge @!p0 [sflag:s0], s1  }
0xb9: {  	s1 =	ssub.s32 @!p0 $0x0, s1;
	[sflag:s0] =	ssyncset.done @!p0 $0x0  }
0xba: {  	[sflag:s0] =	ssyncadd.s32 @!p0 s1  }
0xbb: {  	[bflag:$0x3] =	sbarrier.arrive $0xFFFF  }
0xbc: {  	_ =	shalt  }

</sc_bundles>
